<compile_context>
chip_gen: v7x
topology: tpu7x:2x2x1
jax: 0.10.2.dev20260603
libtpu: 0.0.44.dev20260713+nightly
codegen_flags: <defaults>
</compile_context>

<pallas_src>
import functools

import jax
import jax.numpy as jnp
from jax import lax
from jax.experimental import pallas as pl
from jax.experimental.pallas import tpu as pltpu
from jax.experimental.pallas import tpu_sc as plsc

N = 10000
IN_CH = 256
HID = 512
OUT_CH = 256
CH = 128
E = 160000
K = 128
ROWS = 1280
EPAD = ROWS * K
DUMMY = N
NPAD = 10240
NC, NS = 2, 16
RP = ROWS // NS
HK = RP // 2
RD = ROWS // (NC * NS)
NROWS_T = NPAD // NS
ZROWS_T = NPAD // NS
DEGW = 128
RB = 2000


def _mesh():
    return plsc.VectorSubcoreMesh(
        core_axis_name="c", subcore_axis_name="s",
        num_cores=NC, num_subcores=NS)


@functools.partial(
    pl.kernel,
    out_type=jax.ShapeDtypeStruct((NC, NPAD, DEGW), jnp.float32),
    mesh=_mesh(),
    scratch_types=[
        pltpu.VMEM((RD, K), jnp.int32),
        pltpu.VMEM((K, DEGW), jnp.float32),
        pltpu.VMEM_SHARED((NPAD, DEGW), jnp.float32),
    ],
)
def _deg_kernel(dst_hbm, zeros_hbm, ones_hbm, out_hbm, dst_v, ones_v, acc_sh):
    c = lax.axis_index("c")
    s = lax.axis_index("s")
    w = c * NS + s
    pltpu.sync_copy(zeros_hbm.at[pl.ds(s * ZROWS_T, ZROWS_T)],
                    acc_sh.at[pl.ds(s * ZROWS_T, ZROWS_T)])
    pltpu.sync_copy(dst_hbm.at[pl.ds(w * RD, RD)], dst_v)
    pltpu.sync_copy(ones_hbm, ones_v)
    plsc.subcore_barrier()

    def body(j, carry):
        pltpu.sync_copy(ones_v, acc_sh.at[dst_v.at[j]], add=True)
        return carry

    lax.fori_loop(0, RD, body, 0)
    plsc.subcore_barrier()
    pltpu.sync_copy(acc_sh.at[pl.ds(s * ZROWS_T, ZROWS_T)],
                    out_hbm.at[c, pl.ds(s * ZROWS_T, ZROWS_T)])


@functools.partial(
    pl.kernel,
    out_type=jax.ShapeDtypeStruct((NC, NPAD, CH), jnp.float32),
    mesh=_mesh(),
    scratch_types=[
        pltpu.VMEM((HK, K), jnp.int32),
        pltpu.VMEM((HK, K), jnp.int32),
        pltpu.VMEM((K, CH), jnp.float32),
        pltpu.VMEM((K, CH), jnp.float32),
        pltpu.VMEM_SHARED((NPAD, CH), jnp.float32),
        pltpu.SemaphoreType.DMA,
        pltpu.SemaphoreType.DMA,
    ],
)
def _prop_kernel(ys_hbm, src_hbm, dst_hbm, out_hbm,
                 src_v, dst_v, gb0, gb1, acc_sh, sem0, sem1):
    c = lax.axis_index("c")
    s = lax.axis_index("s")
    pltpu.sync_copy(ys_hbm.at[c, pl.ds(s * NROWS_T, NROWS_T)],
                    acc_sh.at[pl.ds(s * NROWS_T, NROWS_T)])
    plsc.subcore_barrier()

    gbufs = (gb0, gb1)
    sems = (sem0, sem1)

    def start(chunk, b):
        pltpu.async_copy(ys_hbm.at[c].at[src_v.at[chunk]], gbufs[b], sems[b])

    def wait(b):
        pltpu.make_async_copy(ys_hbm.at[c, pl.ds(0, K)],
                              gbufs[b], sems[b]).wait()

    def scat(chunk, b):
        pltpu.sync_copy(gbufs[b], acc_sh.at[dst_v.at[chunk]], add=True)

    def body(g, carry):
        ch0 = g * 2
        for b in range(2):
            wait(b)
            scat(ch0 + b, b)
            start(ch0 + b + 2, b)
        return carry

    for h in range(2):
        base = s * RP + h * HK
        pltpu.sync_copy(src_hbm.at[pl.ds(base, HK)], src_v)
        pltpu.sync_copy(dst_hbm.at[pl.ds(base, HK)], dst_v)
        start(0, 0)
        start(1, 1)
        lax.fori_loop(0, HK // 2 - 1, body, 0)
        for b in range(2):
            wait(b)
            scat(HK - 2 + b, b)
    plsc.subcore_barrier()
    pltpu.sync_copy(acc_sh.at[pl.ds(s * NROWS_T, NROWS_T)],
                    out_hbm.at[c, pl.ds(s * NROWS_T, NROWS_T)])


def _dis_of(p):
    return lax.rsqrt(1.0 + p[0, :, 0] + p[1, :, 0])


def _prep_body(deg_ref, x_ref, ys_ref):
    dis = _dis_of(deg_ref[...])
    xs = x_ref[...] * dis[:, None]
    ys_ref[0] = xs[:, :CH]
    ys_ref[1] = xs[:, CH:]


def _dense_body(deg_ref, s1_ref, w1_ref, b1_ref, w2_ref, out_ref):
    dis = _dis_of(deg_ref[...])
    s1 = jnp.concatenate([s1_ref[0], s1_ref[1]], axis=1) * dis[:, None]
    h = jnp.dot(s1, w1_ref[...], preferred_element_type=jnp.float32)
    h = jnp.maximum(h + b1_ref[...], 0.0)
    g = jnp.dot(h, w2_ref[...], preferred_element_type=jnp.float32)
    gs = g * dis[:, None]
    out_ref[0] = gs[:, :CH]
    out_ref[1] = gs[:, CH:]


def _out_body(deg_ref, s2_ref, b2_ref, out_ref):
    dis = _dis_of(deg_ref[...])
    p2 = jnp.concatenate([s2_ref[0], s2_ref[1]], axis=1) * dis[:, None]
    p2 = p2 + b2_ref[...]
    sh = p2 - jnp.max(p2, axis=1, keepdims=True)
    lse = jnp.log(jnp.sum(jnp.exp(sh), axis=1, keepdims=True))
    out_ref[...] = sh - lse


_DEG_SPEC = pl.BlockSpec((NC, RB, DEGW), lambda i: (0, i, 0))
_SPLIT_SPEC = pl.BlockSpec((NC, RB, CH), lambda i: (0, i, 0))


def _prep(deg_parts, x):
    return pl.pallas_call(
        _prep_body,
        grid=(N // RB,),
        in_specs=[_DEG_SPEC, pl.BlockSpec((RB, IN_CH), lambda i: (i, 0))],
        out_specs=_SPLIT_SPEC,
        out_shape=jax.ShapeDtypeStruct((NC, NPAD, CH), jnp.float32),
    )(deg_parts, x)


def _dense(deg_parts, s1, W1, b1, W2):
    return pl.pallas_call(
        _dense_body,
        grid=(N // RB,),
        in_specs=[
            _DEG_SPEC,
            _SPLIT_SPEC,
            pl.BlockSpec((IN_CH, HID), lambda i: (0, 0)),
            pl.BlockSpec((1, HID), lambda i: (0, 0)),
            pl.BlockSpec((HID, OUT_CH), lambda i: (0, 0)),
        ],
        out_specs=_SPLIT_SPEC,
        out_shape=jax.ShapeDtypeStruct((NC, NPAD, CH), jnp.float32),
    )(deg_parts, s1, W1, b1, W2)


def _final(deg_parts, s2, b2):
    return pl.pallas_call(
        _out_body,
        grid=(N // RB,),
        in_specs=[
            _DEG_SPEC,
            _SPLIT_SPEC,
            pl.BlockSpec((1, OUT_CH), lambda i: (0, 0)),
        ],
        out_specs=pl.BlockSpec((RB, OUT_CH), lambda i: (i, 0)),
        out_shape=jax.ShapeDtypeStruct((N, OUT_CH), jnp.float32),
    )(deg_parts, s2, b2)


def kernel(x, edge_index, W1, b1, W2, b2):
    ei = edge_index.astype(jnp.int32)
    pad = EPAD - E
    src_m = jnp.concatenate(
        [ei[0], jnp.zeros((pad,), jnp.int32)]).reshape(ROWS, K)
    dst_m = jnp.concatenate(
        [ei[1], jnp.full((pad,), DUMMY, jnp.int32)]).reshape(ROWS, K)
    zeros = jnp.zeros((NPAD, DEGW), jnp.float32)
    ones = jnp.zeros((K, DEGW), jnp.float32).at[:, 0].set(1.0)

    deg_parts = _deg_kernel(dst_m, zeros, ones)
    ys = _prep(deg_parts, x)
    s1 = _prop_kernel(ys, src_m, dst_m)
    gs = _dense(deg_parts, s1, W1, b1.reshape(1, HID), W2)
    s2 = _prop_kernel(gs, src_m, dst_m)
    return _final(deg_parts, s2, b2.reshape(1, OUT_CH))

# --- scband reference (transcript-rebuilt; emitter-appended) ---
"""Pipeline reference for scband-net-11201274708230 (READ-ONLY COPY).

The authoritative reference and input builder live on the scoring server;
editing this copy changes nothing except your own understanding.
"""

import jax, jax.numpy as jnp
import numpy as np

N_NODES = 10000
IN_CH = 256
HID_CH = 512
OUT_CH = 256
N_EDGES = 160000


def glorot(key, shape):
    limit = jnp.sqrt(6.0 / (shape[0] + shape[1]))
    return jax.random.uniform(key, shape, minval=-limit, maxval=limit, dtype=jnp.float32)


def setup_inputs(seed: int = 0) -> dict:
    key = jax.random.key(seed)
    k1, k2, k3, k4 = jax.random.split(key, 4)
    x = jax.random.normal(k1, (N_NODES, IN_CH), dtype=jnp.float32)
    edge_index = jax.random.randint(k2, (2, N_EDGES), 0, N_NODES, dtype=jnp.int64)
    W1 = glorot(k3, (IN_CH, HID_CH))
    b1 = jnp.zeros((HID_CH,), dtype=jnp.float32)
    W2 = glorot(k4, (HID_CH, OUT_CH))
    b2 = jnp.zeros((OUT_CH,), dtype=jnp.float32)
    return {"x": x, "edge_index": edge_index, "W1": W1, "b1": b1, "W2": W2, "b2": b2}


def gcn_conv(x, edge_index, W, b, n_nodes):
    # PyG GCNConv semantics: add self-loops, symmetric normalization D^-1/2 A D^-1/2
    src = edge_index[0]
    dst = edge_index[1]
    loop = jnp.arange(n_nodes, dtype=src.dtype)
    src = jnp.concatenate([src, loop])
    dst = jnp.concatenate([dst, loop])
    deg = jnp.zeros((n_nodes,), dtype=jnp.float32).at[dst].add(1.0)
    deg_inv_sqrt = jnp.where(deg > 0, jax.lax.rsqrt(jnp.maximum(deg, 1e-12)), 0.0)
    norm = deg_inv_sqrt[src] * deg_inv_sqrt[dst]
    h = x @ W
    msg = h[src] * norm[:, None]
    out = jnp.zeros((n_nodes, W.shape[1]), dtype=jnp.float32).at[dst].add(msg)
    return out + b


def reference(x, edge_index, W1, b1, W2, b2):
    n = x.shape[0]
    h = gcn_conv(x, edge_index, W1, b1, n)
    h = jax.nn.relu(h)
    # F.dropout with training=False (eval mode) is identity
    h = gcn_conv(h, edge_index, W2, b2, n)
    return jax.nn.log_softmax(h, axis=1)

if __name__ == "__main__":
    import jax
    _d = setup_inputs()
    print(jax.jit(kernel)(*tuple(_d.values())))

</pallas_src>

<mosaic_0001>
#map = affine_map<(d0, d1) -> (0, 0, 0)>
#map1 = affine_map<(d0, d1) -> (0, 0)>
module attributes {stable_mosaic.version = 14 : i64} {
  func.func @_prop_kernel(%arg0: i32, %arg1: i32, %arg2: memref<2x10240x128xf32, #tpu.memory_space<hbm>>, %arg3: memref<1280x128xi32, #tpu.memory_space<hbm>>, %arg4: memref<1280x128xi32, #tpu.memory_space<hbm>>, %arg5: memref<2x10240x128xf32, #tpu.memory_space<hbm>>, %arg6: memref<40x128xi32, #tpu.memory_space<vmem>>, %arg7: memref<40x128xi32, #tpu.memory_space<vmem>>, %arg8: memref<128x128xf32, #tpu.memory_space<vmem>>, %arg9: memref<128x128xf32, #tpu.memory_space<vmem>>, %arg10: memref<10240x128xf32, #tpu.memory_space<vmem_shared>>, %arg11: memref<!tpu.dma_semaphore, #tpu.memory_space<semaphore_mem>>, %arg12: memref<!tpu.dma_semaphore, #tpu.memory_space<semaphore_mem>>) attributes {dimension_semantics = [#tpu.dimension_semantics<core_parallel>, #tpu.dimension_semantics<subcore_parallel>], iteration_bounds = array<i64: 2, 16>, scalar_prefetch = 0 : i64, scratch_operands = 7 : i64, tpu.core_type = #tpu.core_type<sc_vector_subcore>, window_params = [{transform_indices = #map}, {transform_indices = #map1}, {transform_indices = #map1}, {transform_indices = #map}]} {
    %mul3A = arith.constant 640 : i32
    %mul3A_0 = arith.muli %arg1, %mul3A : i32
    %mul3A_1 = arith.constant 640 : i32
    %mul3A_2 = arith.muli %arg1, %mul3A_1 : i32
    "tpu.region"() ({
      %run_scoped3A_103 = tpu.sem_alloc : memref<!tpu.dma_semaphore, #tpu.memory_space<semaphore_mem>>
      %dma_start3A_104 = arith.constant 0 : i32
      %dma_start3A_105 = tpu.memref_slice %arg10[%mul3A_2, %dma_start3A_104] : memref<10240x128xf32, #tpu.memory_space<vmem_shared>> -> memref<640x128xf32, #tpu.memory_space<vmem_shared>>
      %dma_start3A_106 = arith.constant 0 : i32
      %dma_start3A_107 = tpu.memref_slice %arg2[%arg0, %mul3A_0, %dma_start3A_106] : memref<2x10240x128xf32, #tpu.memory_space<hbm>> -> memref<1x640x128xf32, #tpu.memory_space<hbm>>
      %dma_start3A_108 = tpu.memref_squeeze %dma_start3A_107 : memref<1x640x128xf32, #tpu.memory_space<hbm>> -> memref<640x128xf32, #tpu.memory_space<hbm>>
      tpu.enqueue_dma source(%dma_start3A_108 : memref<640x128xf32, #tpu.memory_space<hbm>>) target(%dma_start3A_105 : memref<640x128xf32, #tpu.memory_space<vmem_shared>>) target_semaphore(%run_scoped3A_103 : memref<!tpu.dma_semaphore, #tpu.memory_space<semaphore_mem>>)
      %dma_wait3A_109 = arith.constant 0 : i32
      %dma_wait3A_110 = tpu.memref_slice %arg10[%mul3A_2, %dma_wait3A_109] : memref<10240x128xf32, #tpu.memory_space<vmem_shared>> -> memref<640x128xf32, #tpu.memory_space<vmem_shared>>
      %dma_wait3A_111 = arith.constant 0 : i32
      %dma_wait3A_112 = tpu.memref_slice %arg2[%arg0, %mul3A_0, %dma_wait3A_111] : memref<2x10240x128xf32, #tpu.memory_space<hbm>> -> memref<1x640x128xf32, #tpu.memory_space<hbm>>
      %dma_wait3A_113 = tpu.memref_squeeze %dma_wait3A_112 : memref<1x640x128xf32, #tpu.memory_space<hbm>> -> memref<640x128xf32, #tpu.memory_space<hbm>>
      tpu.wait_dma2 semaphore(%run_scoped3A_103 : memref<!tpu.dma_semaphore, #tpu.memory_space<semaphore_mem>>) src(%dma_wait3A_113 : memref<640x128xf32, #tpu.memory_space<hbm>>) dst(%dma_wait3A_110 : memref<640x128xf32, #tpu.memory_space<vmem_shared>>)
      tpu.yield
    }) : () -> ()
    %barrier3A = arith.constant 0 : index
    tpu.barrier barrier_id(%barrier3A)
    %mul3A_3 = arith.constant 80 : i32
    %mul3A_4 = arith.muli %arg1, %mul3A_3 : i32
    %add3A = arith.constant 0 : i32
    %add3A_5 = arith.addi %mul3A_4, %add3A : i32
    "tpu.region"() ({
      %run_scoped3A_103 = tpu.sem_alloc : memref<!tpu.dma_semaphore, #tpu.memory_space<semaphore_mem>>
      %dma_start3A_104 = arith.constant 0 : i32
      %dma_start3A_105 = tpu.memref_slice %arg3[%add3A_5, %dma_start3A_104] : memref<1280x128xi32, #tpu.memory_space<hbm>> -> memref<40x128xi32, #tpu.memory_space<hbm>>
      %dma_start3A_106 = arith.constant 0 : i32
      %dma_start3A_107 = tpu.memref_slice %arg3[%add3A_5, %dma_start3A_106] : memref<1280x128xi32, #tpu.memory_space<hbm>> -> memref<40x128xi32, #tpu.memory_space<hbm>>
      tpu.enqueue_dma source(%dma_start3A_107 : memref<40x128xi32, #tpu.memory_space<hbm>>) target(%arg6 : memref<40x128xi32, #tpu.memory_space<vmem>>) target_semaphore(%run_scoped3A_103 : memref<!tpu.dma_semaphore, #tpu.memory_space<semaphore_mem>>)
      %dma_wait3A_108 = arith.constant 0 : i32
      %dma_wait3A_109 = tpu.memref_slice %arg3[%add3A_5, %dma_wait3A_108] : memref<1280x128xi32, #tpu.memory_space<hbm>> -> memref<40x128xi32, #tpu.memory_space<hbm>>
      %dma_wait3A_110 = arith.constant 0 : i32
      %dma_wait3A_111 = tpu.memref_slice %arg3[%add3A_5, %dma_wait3A_110] : memref<1280x128xi32, #tpu.memory_space<hbm>> -> memref<40x128xi32, #tpu.memory_space<hbm>>
      tpu.wait_dma2 semaphore(%run_scoped3A_103 : memref<!tpu.dma_semaphore, #tpu.memory_space<semaphore_mem>>) src(%dma_wait3A_111 : memref<40x128xi32, #tpu.memory_space<hbm>>) dst(%arg6 : memref<40x128xi32, #tpu.memory_space<vmem>>)
      tpu.yield
    }) : () -> ()
    "tpu.region"() ({
      %run_scoped3A_103 = tpu.sem_alloc : memref<!tpu.dma_semaphore, #tpu.memory_space<semaphore_mem>>
      %dma_start3A_104 = arith.constant 0 : i32
      %dma_start3A_105 = tpu.memref_slice %arg4[%add3A_5, %dma_start3A_104] : memref<1280x128xi32, #tpu.memory_space<hbm>> -> memref<40x128xi32, #tpu.memory_space<hbm>>
      %dma_start3A_106 = arith.constant 0 : i32
      %dma_start3A_107 = tpu.memref_slice %arg4[%add3A_5, %dma_start3A_106] : memref<1280x128xi32, #tpu.memory_space<hbm>> -> memref<40x128xi32, #tpu.memory_space<hbm>>
      tpu.enqueue_dma source(%dma_start3A_107 : memref<40x128xi32, #tpu.memory_space<hbm>>) target(%arg7 : memref<40x128xi32, #tpu.memory_space<vmem>>) target_semaphore(%run_scoped3A_103 : memref<!tpu.dma_semaphore, #tpu.memory_space<semaphore_mem>>)
      %dma_wait3A_108 = arith.constant 0 : i32
      %dma_wait3A_109 = tpu.memref_slice %arg4[%add3A_5, %dma_wait3A_108] : memref<1280x128xi32, #tpu.memory_space<hbm>> -> memref<40x128xi32, #tpu.memory_space<hbm>>
      %dma_wait3A_110 = arith.constant 0 : i32
      %dma_wait3A_111 = tpu.memref_slice %arg4[%add3A_5, %dma_wait3A_110] : memref<1280x128xi32, #tpu.memory_space<hbm>> -> memref<40x128xi32, #tpu.memory_space<hbm>>
      tpu.wait_dma2 semaphore(%run_scoped3A_103 : memref<!tpu.dma_semaphore, #tpu.memory_space<semaphore_mem>>) src(%dma_wait3A_111 : memref<40x128xi32, #tpu.memory_space<hbm>>) dst(%arg7 : memref<40x128xi32, #tpu.memory_space<vmem>>)
      tpu.yield
    }) : () -> ()
    %dma_start3A = arith.constant 0 : i32
    %dma_start3A_6 = arith.constant 0 : i32
    %dma_start3A_7 = tpu.memref_slice %arg6[%dma_start3A, %dma_start3A_6] : memref<40x128xi32, #tpu.memory_space<vmem>> -> memref<1x128xi32, #tpu.memory_space<vmem>>
    %dma_start3A_8 = tpu.memref_squeeze %dma_start3A_7 : memref<1x128xi32, #tpu.memory_space<vmem>> -> memref<128xi32, #tpu.memory_space<vmem>>
    %dma_start3A_9 = arith.constant 0 : i32
    %dma_start3A_10 = arith.constant 0 : i32
    %dma_start3A_11 = tpu.memref_slice %arg2[%arg0, %dma_start3A_9, %dma_start3A_10] : memref<2x10240x128xf32, #tpu.memory_space<hbm>> -> memref<1x10240x128xf32, #tpu.memory_space<hbm>>
    %dma_start3A_12 = tpu.memref_squeeze %dma_start3A_11 : memref<1x10240x128xf32, #tpu.memory_space<hbm>> -> memref<10240x128xf32, #tpu.memory_space<hbm>>
    %dma_start3A_13 = arith.constant 0 : i32
    %dma_start3A_14 = arith.constant 0 : i32
    %dma_start3A_15 = tpu.memref_slice %dma_start3A_12[%dma_start3A_13, %dma_start3A_14] : memref<10240x128xf32, #tpu.memory_space<hbm>> -> memref<10240x128xf32, #tpu.memory_space<hbm>>
    tpu.enqueue_indirect_dma source(%dma_start3A_15 : memref<10240x128xf32, #tpu.memory_space<hbm>>) target(%arg8 : memref<128x128xf32, #tpu.memory_space<vmem>>) offsets(%dma_start3A_8 : memref<128xi32, #tpu.memory_space<vmem>>) semaphore(%arg11 : memref<!tpu.dma_semaphore, #tpu.memory_space<semaphore_mem>>)
    %dma_start3A_16 = arith.constant 1 : i32
    %dma_start3A_17 = arith.constant 0 : i32
    %dma_start3A_18 = tpu.memref_slice %arg6[%dma_start3A_16, %dma_start3A_17] : memref<40x128xi32, #tpu.memory_space<vmem>> -> memref<1x128xi32, #tpu.memory_space<vmem>>
    %dma_start3A_19 = tpu.memref_squeeze %dma_start3A_18 : memref<1x128xi32, #tpu.memory_space<vmem>> -> memref<128xi32, #tpu.memory_space<vmem>>
    %dma_start3A_20 = arith.constant 0 : i32
    %dma_start3A_21 = arith.constant 0 : i32
    %dma_start3A_22 = tpu.memref_slice %arg2[%arg0, %dma_start3A_20, %dma_start3A_21] : memref<2x10240x128xf32, #tpu.memory_space<hbm>> -> memref<1x10240x128xf32, #tpu.memory_space<hbm>>
    %dma_start3A_23 = tpu.memref_squeeze %dma_start3A_22 : memref<1x10240x128xf32, #tpu.memory_space<hbm>> -> memref<10240x128xf32, #tpu.memory_space<hbm>>
    %dma_start3A_24 = arith.constant 0 : i32
    %dma_start3A_25 = arith.constant 0 : i32
    %dma_start3A_26 = tpu.memref_slice %dma_start3A_23[%dma_start3A_24, %dma_start3A_25] : memref<10240x128xf32, #tpu.memory_space<hbm>> -> memref<10240x128xf32, #tpu.memory_space<hbm>>
    tpu.enqueue_indirect_dma source(%dma_start3A_26 : memref<10240x128xf32, #tpu.memory_space<hbm>>) target(%arg9 : memref<128x128xf32, #tpu.memory_space<vmem>>) offsets(%dma_start3A_19 : memref<128xi32, #tpu.memory_space<vmem>>) semaphore(%arg12 : memref<!tpu.dma_semaphore, #tpu.memory_space<semaphore_mem>>)
    %scan3A = arith.constant 0 : i32
    %scan3A_27 = arith.constant 0 : i32
    %scan3A_28 = arith.constant 19 : i32
    %scan3A_29 = arith.addi %scan3A_27, %scan3A_28 : i32
    %scan3A_30 = arith.constant 1 : i32
    scf.for %scan3A_103 = %scan3A_27 to %scan3A_29 step %scan3A_30  : i32 {
      %mul3A_104 = arith.constant 2 : i32
      %mul3A_105 = arith.muli %scan3A_103, %mul3A_104 : i32
      %dma_wait3A_106 = arith.constant 0 : i32
      %dma_wait3A_107 = arith.constant 0 : i32
      %dma_wait3A_108 = tpu.memref_slice %arg2[%arg0, %dma_wait3A_106, %dma_wait3A_107] : memref<2x10240x128xf32, #tpu.memory_space<hbm>> -> memref<1x128x128xf32, #tpu.memory_space<hbm>>
      %dma_wait3A_109 = tpu.memref_squeeze %dma_wait3A_108 : memref<1x128x128xf32, #tpu.memory_space<hbm>> -> memref<128x128xf32, #tpu.memory_space<hbm>>
      %dma_wait3A_110 = arith.constant 0 : i32
      %dma_wait3A_111 = arith.constant 0 : i32
      %dma_wait3A_112 = tpu.memref_slice %arg2[%arg0, %dma_wait3A_110, %dma_wait3A_111] : memref<2x10240x128xf32, #tpu.memory_space<hbm>> -> memref<1x128x128xf32, #tpu.memory_space<hbm>>
      %dma_wait3A_113 = tpu.memref_squeeze %dma_wait3A_112 : memref<1x128x128xf32, #tpu.memory_space<hbm>> -> memref<128x128xf32, #tpu.memory_space<hbm>>
      tpu.wait_dma2 semaphore(%arg11 : memref<!tpu.dma_semaphore, #tpu.memory_space<semaphore_mem>>) src(%dma_wait3A_113 : memref<128x128xf32, #tpu.memory_space<hbm>>) dst(%arg8 : memref<128x128xf32, #tpu.memory_space<vmem>>)
      %add3A_114 = arith.constant 0 : i32
      %add3A_115 = arith.addi %mul3A_105, %add3A_114 : i32
      "tpu.region"() ({
        %run_scoped3A_154 = tpu.sem_alloc : memref<!tpu.dma_semaphore, #tpu.memory_space<semaphore_mem>>
        %dma_start3A_155 = arith.constant 0 : i32
        %dma_start3A_156 = tpu.memref_slice %arg7[%add3A_115, %dma_start3A_155] : memref<40x128xi32, #tpu.memory_space<vmem>> -> memref<1x128xi32, #tpu.memory_space<vmem>>
        %dma_start3A_157 = tpu.memref_squeeze %dma_start3A_156 : memref<1x128xi32, #tpu.memory_space<vmem>> -> memref<128xi32, #tpu.memory_space<vmem>>
        %dma_start3A_158 = arith.constant 0 : i32
        %dma_start3A_159 = arith.constant 0 : i32
        %dma_start3A_160 = tpu.memref_slice %arg10[%dma_start3A_158, %dma_start3A_159] : memref<10240x128xf32, #tpu.memory_space<vmem_shared>> -> memref<10240x128xf32, #tpu.memory_space<vmem_shared>>
        tpu.enqueue_indirect_dma source(%arg8 : memref<128x128xf32, #tpu.memory_space<vmem>>) target(%dma_start3A_160 : memref<10240x128xf32, #tpu.memory_space<vmem_shared>>) offsets(%dma_start3A_157 : memref<128xi32, #tpu.memory_space<vmem>>) semaphore(%run_scoped3A_154 : memref<!tpu.dma_semaphore, #tpu.memory_space<semaphore_mem>>) {add = true}
        %dma_wait3A_161 = arith.constant 0 : i32
        %dma_wait3A_162 = tpu.memref_slice %arg7[%add3A_115, %dma_wait3A_161] : memref<40x128xi32, #tpu.memory_space<vmem>> -> memref<1x128xi32, #tpu.memory_space<vmem>>
        %dma_wait3A_163 = tpu.memref_squeeze %dma_wait3A_162 : memref<1x128xi32, #tpu.memory_space<vmem>> -> memref<128xi32, #tpu.memory_space<vmem>>
        %dma_wait3A_164 = arith.constant 0 : i32
        %dma_wait3A_165 = arith.constant 0 : i32
        %dma_wait3A_166 = tpu.memref_slice %arg10[%dma_wait3A_164, %dma_wait3A_165] : memref<10240x128xf32, #tpu.memory_space<vmem_shared>> -> memref<10240x128xf32, #tpu.memory_space<vmem_shared>>
        tpu.wait_indirect_dma semaphore(%run_scoped3A_154 : memref<!tpu.dma_semaphore, #tpu.memory_space<semaphore_mem>>) src(%arg8 : memref<128x128xf32, #tpu.memory_space<vmem>>) dst(%dma_wait3A_166 : memref<10240x128xf32, #tpu.memory_space<vmem_shared>>)
        tpu.yield
      }) : () -> ()
      %add3A_116 = arith.constant 0 : i32
      %add3A_117 = arith.addi %mul3A_105, %add3A_116 : i32
      %add3A_118 = arith.constant 2 : i32
      %add3A_119 = arith.addi %add3A_117, %add3A_118 : i32
      %dma_start3A_120 = arith.constant 0 : i32
      %dma_start3A_121 = tpu.memref_slice %arg6[%add3A_119, %dma_start3A_120] : memref<40x128xi32, #tpu.memory_space<vmem>> -> memref<1x128xi32, #tpu.memory_space<vmem>>
      %dma_start3A_122 = tpu.memref_squeeze %dma_start3A_121 : memref<1x128xi32, #tpu.memory_space<vmem>> -> memref<128xi32, #tpu.memory_space<vmem>>
      %dma_start3A_123 = arith.constant 0 : i32
      %dma_start3A_124 = arith.constant 0 : i32
      %dma_start3A_125 = tpu.memref_slice %arg2[%arg0, %dma_start3A_123, %dma_start3A_124] : memref<2x10240x128xf32, #tpu.memory_space<hbm>> -> memref<1x10240x128xf32, #tpu.memory_space<hbm>>
      %dma_start3A_126 = tpu.memref_squeeze %dma_start3A_125 : memref<1x10240x128xf32, #tpu.memory_space<hbm>> -> memref<10240x128xf32, #tpu.memory_space<hbm>>
      %dma_start3A_127 = arith.constant 0 : i32
      %dma_start3A_128 = arith.constant 0 : i32
      %dma_start3A_129 = tpu.memref_slice %dma_start3A_126[%dma_start3A_127, %dma_start3A_128] : memref<10240x128xf32, #tpu.memory_space<hbm>> -> memref<10240x128xf32, #tpu.memory_space<hbm>>
      tpu.enqueue_indirect_dma source(%dma_start3A_129 : memref<10240x128xf32, #tpu.memory_space<hbm>>) target(%arg8 : memref<128x128xf32, #tpu.memory_space<vmem>>) offsets(%dma_start3A_122 : memref<128xi32, #tpu.memory_space<vmem>>) semaphore(%arg11 : memref<!tpu.dma_semaphore, #tpu.memory_space<semaphore_mem>>)
      %dma_wait3A_130 = arith.constant 0 : i32
      %dma_wait3A_131 = arith.constant 0 : i32
      %dma_wait3A_132 = tpu.memref_slice %arg2[%arg0, %dma_wait3A_130, %dma_wait3A_131] : memref<2x10240x128xf32, #tpu.memory_space<hbm>> -> memref<1x128x128xf32, #tpu.memory_space<hbm>>
      %dma_wait3A_133 = tpu.memref_squeeze %dma_wait3A_132 : memref<1x128x128xf32, #tpu.memory_space<hbm>> -> memref<128x128xf32, #tpu.memory_space<hbm>>
      %dma_wait3A_134 = arith.constant 0 : i32
      %dma_wait3A_135 = arith.constant 0 : i32
      %dma_wait3A_136 = tpu.memref_slice %arg2[%arg0, %dma_wait3A_134, %dma_wait3A_135] : memref<2x10240x128xf32, #tpu.memory_space<hbm>> -> memref<1x128x128xf32, #tpu.memory_space<hbm>>
      %dma_wait3A_137 = tpu.memref_squeeze %dma_wait3A_136 : memref<1x128x128xf32, #tpu.memory_space<hbm>> -> memref<128x128xf32, #tpu.memory_space<hbm>>
      tpu.wait_dma2 semaphore(%arg12 : memref<!tpu.dma_semaphore, #tpu.memory_space<semaphore_mem>>) src(%dma_wait3A_137 : memref<128x128xf32, #tpu.memory_space<hbm>>) dst(%arg9 : memref<128x128xf32, #tpu.memory_space<vmem>>)
      %add3A_138 = arith.constant 1 : i32
      %add3A_139 = arith.addi %mul3A_105, %add3A_138 : i32
      "tpu.region"() ({
        %run_scoped3A_154 = tpu.sem_alloc : memref<!tpu.dma_semaphore, #tpu.memory_space<semaphore_mem>>
        %dma_start3A_155 = arith.constant 0 : i32
        %dma_start3A_156 = tpu.memref_slice %arg7[%add3A_139, %dma_start3A_155] : memref<40x128xi32, #tpu.memory_space<vmem>> -> memref<1x128xi32, #tpu.memory_space<vmem>>
        %dma_start3A_157 = tpu.memref_squeeze %dma_start3A_156 : memref<1x128xi32, #tpu.memory_space<vmem>> -> memref<128xi32, #tpu.memory_space<vmem>>
        %dma_start3A_158 = arith.constant 0 : i32
        %dma_start3A_159 = arith.constant 0 : i32
        %dma_start3A_160 = tpu.memref_slice %arg10[%dma_start3A_158, %dma_start3A_159] : memref<10240x128xf32, #tpu.memory_space<vmem_shared>> -> memref<10240x128xf32, #tpu.memory_space<vmem_shared>>
        tpu.enqueue_indirect_dma source(%arg9 : memref<128x128xf32, #tpu.memory_space<vmem>>) target(%dma_start3A_160 : memref<10240x128xf32, #tpu.memory_space<vmem_shared>>) offsets(%dma_start3A_157 : memref<128xi32, #tpu.memory_space<vmem>>) semaphore(%run_scoped3A_154 : memref<!tpu.dma_semaphore, #tpu.memory_space<semaphore_mem>>) {add = true}
        %dma_wait3A_161 = arith.constant 0 : i32
        %dma_wait3A_162 = tpu.memref_slice %arg7[%add3A_139, %dma_wait3A_161] : memref<40x128xi32, #tpu.memory_space<vmem>> -> memref<1x128xi32, #tpu.memory_space<vmem>>
        %dma_wait3A_163 = tpu.memref_squeeze %dma_wait3A_162 : memref<1x128xi32, #tpu.memory_space<vmem>> -> memref<128xi32, #tpu.memory_space<vmem>>
        %dma_wait3A_164 = arith.constant 0 : i32
        %dma_wait3A_165 = arith.constant 0 : i32
        %dma_wait3A_166 = tpu.memref_slice %arg10[%dma_wait3A_164, %dma_wait3A_165] : memref<10240x128xf32, #tpu.memory_space<vmem_shared>> -> memref<10240x128xf32, #tpu.memory_space<vmem_shared>>
        tpu.wait_indirect_dma semaphore(%run_scoped3A_154 : memref<!tpu.dma_semaphore, #tpu.memory_space<semaphore_mem>>) src(%arg9 : memref<128x128xf32, #tpu.memory_space<vmem>>) dst(%dma_wait3A_166 : memref<10240x128xf32, #tpu.memory_space<vmem_shared>>)
        tpu.yield
      }) : () -> ()
      %add3A_140 = arith.constant 1 : i32
      %add3A_141 = arith.addi %mul3A_105, %add3A_140 : i32
      %add3A_142 = arith.constant 2 : i32
      %add3A_143 = arith.addi %add3A_141, %add3A_142 : i32
      %dma_start3A_144 = arith.constant 0 : i32
      %dma_start3A_145 = tpu.memref_slice %arg6[%add3A_143, %dma_start3A_144] : memref<40x128xi32, #tpu.memory_space<vmem>> -> memref<1x128xi32, #tpu.memory_space<vmem>>
      %dma_start3A_146 = tpu.memref_squeeze %dma_start3A_145 : memref<1x128xi32, #tpu.memory_space<vmem>> -> memref<128xi32, #tpu.memory_space<vmem>>
      %dma_start3A_147 = arith.constant 0 : i32
      %dma_start3A_148 = arith.constant 0 : i32
      %dma_start3A_149 = tpu.memref_slice %arg2[%arg0, %dma_start3A_147, %dma_start3A_148] : memref<2x10240x128xf32, #tpu.memory_space<hbm>> -> memref<1x10240x128xf32, #tpu.memory_space<hbm>>
      %dma_start3A_150 = tpu.memref_squeeze %dma_start3A_149 : memref<1x10240x128xf32, #tpu.memory_space<hbm>> -> memref<10240x128xf32, #tpu.memory_space<hbm>>
      %dma_start3A_151 = arith.constant 0 : i32
      %dma_start3A_152 = arith.constant 0 : i32
      %dma_start3A_153 = tpu.memref_slice %dma_start3A_150[%dma_start3A_151, %dma_start3A_152] : memref<10240x128xf32, #tpu.memory_space<hbm>> -> memref<10240x128xf32, #tpu.memory_space<hbm>>
      tpu.enqueue_indirect_dma source(%dma_start3A_153 : memref<10240x128xf32, #tpu.memory_space<hbm>>) target(%arg9 : memref<128x128xf32, #tpu.memory_space<vmem>>) offsets(%dma_start3A_146 : memref<128xi32, #tpu.memory_space<vmem>>) semaphore(%arg12 : memref<!tpu.dma_semaphore, #tpu.memory_space<semaphore_mem>>)
    }
    %scan3A_31 = arith.constant 19 : i32
    %dma_wait3A = arith.constant 0 : i32
    %dma_wait3A_32 = arith.constant 0 : i32
    %dma_wait3A_33 = tpu.memref_slice %arg2[%arg0, %dma_wait3A, %dma_wait3A_32] : memref<2x10240x128xf32, #tpu.memory_space<hbm>> -> memref<1x128x128xf32, #tpu.memory_space<hbm>>
    %dma_wait3A_34 = tpu.memref_squeeze %dma_wait3A_33 : memref<1x128x128xf32, #tpu.memory_space<hbm>> -> memref<128x128xf32, #tpu.memory_space<hbm>>
    %dma_wait3A_35 = arith.constant 0 : i32
    %dma_wait3A_36 = arith.constant 0 : i32
    %dma_wait3A_37 = tpu.memref_slice %arg2[%arg0, %dma_wait3A_35, %dma_wait3A_36] : memref<2x10240x128xf32, #tpu.memory_space<hbm>> -> memref<1x128x128xf32, #tpu.memory_space<hbm>>
    %dma_wait3A_38 = tpu.memref_squeeze %dma_wait3A_37 : memref<1x128x128xf32, #tpu.memory_space<hbm>> -> memref<128x128xf32, #tpu.memory_space<hbm>>
    tpu.wait_dma2 semaphore(%arg11 : memref<!tpu.dma_semaphore, #tpu.memory_space<semaphore_mem>>) src(%dma_wait3A_38 : memref<128x128xf32, #tpu.memory_space<hbm>>) dst(%arg8 : memref<128x128xf32, #tpu.memory_space<vmem>>)
    %run_scoped3A = arith.constant 38 : i32
    "tpu.region"() ({
      %run_scoped3A_103 = tpu.sem_alloc : memref<!tpu.dma_semaphore, #tpu.memory_space<semaphore_mem>>
      %dma_start3A_104 = arith.constant 0 : i32
      %dma_start3A_105 = tpu.memref_slice %arg7[%run_scoped3A, %dma_start3A_104] : memref<40x128xi32, #tpu.memory_space<vmem>> -> memref<1x128xi32, #tpu.memory_space<vmem>>
      %dma_start3A_106 = tpu.memref_squeeze %dma_start3A_105 : memref<1x128xi32, #tpu.memory_space<vmem>> -> memref<128xi32, #tpu.memory_space<vmem>>
      %dma_start3A_107 = arith.constant 0 : i32
      %dma_start3A_108 = arith.constant 0 : i32
      %dma_start3A_109 = tpu.memref_slice %arg10[%dma_start3A_107, %dma_start3A_108] : memref<10240x128xf32, #tpu.memory_space<vmem_shared>> -> memref<10240x128xf32, #tpu.memory_space<vmem_shared>>
      tpu.enqueue_indirect_dma source(%arg8 : memref<128x128xf32, #tpu.memory_space<vmem>>) target(%dma_start3A_109 : memref<10240x128xf32, #tpu.memory_space<vmem_shared>>) offsets(%dma_start3A_106 : memref<128xi32, #tpu.memory_space<vmem>>) semaphore(%run_scoped3A_103 : memref<!tpu.dma_semaphore, #tpu.memory_space<semaphore_mem>>) {add = true}
      %dma_wait3A_110 = arith.constant 0 : i32
      %dma_wait3A_111 = tpu.memref_slice %arg7[%run_scoped3A, %dma_wait3A_110] : memref<40x128xi32, #tpu.memory_space<vmem>> -> memref<1x128xi32, #tpu.memory_space<vmem>>
      %dma_wait3A_112 = tpu.memref_squeeze %dma_wait3A_111 : memref<1x128xi32, #tpu.memory_space<vmem>> -> memref<128xi32, #tpu.memory_space<vmem>>
      %dma_wait3A_113 = arith.constant 0 : i32
      %dma_wait3A_114 = arith.constant 0 : i32
      %dma_wait3A_115 = tpu.memref_slice %arg10[%dma_wait3A_113, %dma_wait3A_114] : memref<10240x128xf32, #tpu.memory_space<vmem_shared>> -> memref<10240x128xf32, #tpu.memory_space<vmem_shared>>
      tpu.wait_indirect_dma semaphore(%run_scoped3A_103 : memref<!tpu.dma_semaphore, #tpu.memory_space<semaphore_mem>>) src(%arg8 : memref<128x128xf32, #tpu.memory_space<vmem>>) dst(%dma_wait3A_115 : memref<10240x128xf32, #tpu.memory_space<vmem_shared>>)
      tpu.yield
    }) : () -> ()
    %dma_wait3A_39 = arith.constant 0 : i32
    %dma_wait3A_40 = arith.constant 0 : i32
    %dma_wait3A_41 = tpu.memref_slice %arg2[%arg0, %dma_wait3A_39, %dma_wait3A_40] : memref<2x10240x128xf32, #tpu.memory_space<hbm>> -> memref<1x128x128xf32, #tpu.memory_space<hbm>>
    %dma_wait3A_42 = tpu.memref_squeeze %dma_wait3A_41 : memref<1x128x128xf32, #tpu.memory_space<hbm>> -> memref<128x128xf32, #tpu.memory_space<hbm>>
    %dma_wait3A_43 = arith.constant 0 : i32
    %dma_wait3A_44 = arith.constant 0 : i32
    %dma_wait3A_45 = tpu.memref_slice %arg2[%arg0, %dma_wait3A_43, %dma_wait3A_44] : memref<2x10240x128xf32, #tpu.memory_space<hbm>> -> memref<1x128x128xf32, #tpu.memory_space<hbm>>
    %dma_wait3A_46 = tpu.memref_squeeze %dma_wait3A_45 : memref<1x128x128xf32, #tpu.memory_space<hbm>> -> memref<128x128xf32, #tpu.memory_space<hbm>>
    tpu.wait_dma2 semaphore(%arg12 : memref<!tpu.dma_semaphore, #tpu.memory_space<semaphore_mem>>) src(%dma_wait3A_46 : memref<128x128xf32, #tpu.memory_space<hbm>>) dst(%arg9 : memref<128x128xf32, #tpu.memory_space<vmem>>)
    %run_scoped3A_47 = arith.constant 39 : i32
    "tpu.region"() ({
      %run_scoped3A_103 = tpu.sem_alloc : memref<!tpu.dma_semaphore, #tpu.memory_space<semaphore_mem>>
      %dma_start3A_104 = arith.constant 0 : i32
      %dma_start3A_105 = tpu.memref_slice %arg7[%run_scoped3A_47, %dma_start3A_104] : memref<40x128xi32, #tpu.memory_space<vmem>> -> memref<1x128xi32, #tpu.memory_space<vmem>>
      %dma_start3A_106 = tpu.memref_squeeze %dma_start3A_105 : memref<1x128xi32, #tpu.memory_space<vmem>> -> memref<128xi32, #tpu.memory_space<vmem>>
      %dma_start3A_107 = arith.constant 0 : i32
      %dma_start3A_108 = arith.constant 0 : i32
      %dma_start3A_109 = tpu.memref_slice %arg10[%dma_start3A_107, %dma_start3A_108] : memref<10240x128xf32, #tpu.memory_space<vmem_shared>> -> memref<10240x128xf32, #tpu.memory_space<vmem_shared>>
      tpu.enqueue_indirect_dma source(%arg9 : memref<128x128xf32, #tpu.memory_space<vmem>>) target(%dma_start3A_109 : memref<10240x128xf32, #tpu.memory_space<vmem_shared>>) offsets(%dma_start3A_106 : memref<128xi32, #tpu.memory_space<vmem>>) semaphore(%run_scoped3A_103 : memref<!tpu.dma_semaphore, #tpu.memory_space<semaphore_mem>>) {add = true}
      %dma_wait3A_110 = arith.constant 0 : i32
      %dma_wait3A_111 = tpu.memref_slice %arg7[%run_scoped3A_47, %dma_wait3A_110] : memref<40x128xi32, #tpu.memory_space<vmem>> -> memref<1x128xi32, #tpu.memory_space<vmem>>
      %dma_wait3A_112 = tpu.memref_squeeze %dma_wait3A_111 : memref<1x128xi32, #tpu.memory_space<vmem>> -> memref<128xi32, #tpu.memory_space<vmem>>
      %dma_wait3A_113 = arith.constant 0 : i32
      %dma_wait3A_114 = arith.constant 0 : i32
      %dma_wait3A_115 = tpu.memref_slice %arg10[%dma_wait3A_113, %dma_wait3A_114] : memref<10240x128xf32, #tpu.memory_space<vmem_shared>> -> memref<10240x128xf32, #tpu.memory_space<vmem_shared>>
      tpu.wait_indirect_dma semaphore(%run_scoped3A_103 : memref<!tpu.dma_semaphore, #tpu.memory_space<semaphore_mem>>) src(%arg9 : memref<128x128xf32, #tpu.memory_space<vmem>>) dst(%dma_wait3A_115 : memref<10240x128xf32, #tpu.memory_space<vmem_shared>>)
      tpu.yield
    }) : () -> ()
    %mul3A_48 = arith.constant 80 : i32
    %mul3A_49 = arith.muli %arg1, %mul3A_48 : i32
    %add3A_50 = arith.constant 40 : i32
    %add3A_51 = arith.addi %mul3A_49, %add3A_50 : i32
    "tpu.region"() ({
      %run_scoped3A_103 = tpu.sem_alloc : memref<!tpu.dma_semaphore, #tpu.memory_space<semaphore_mem>>
      %dma_start3A_104 = arith.constant 0 : i32
      %dma_start3A_105 = tpu.memref_slice %arg3[%add3A_51, %dma_start3A_104] : memref<1280x128xi32, #tpu.memory_space<hbm>> -> memref<40x128xi32, #tpu.memory_space<hbm>>
      %dma_start3A_106 = arith.constant 0 : i32
      %dma_start3A_107 = tpu.memref_slice %arg3[%add3A_51, %dma_start3A_106] : memref<1280x128xi32, #tpu.memory_space<hbm>> -> memref<40x128xi32, #tpu.memory_space<hbm>>
      tpu.enqueue_dma source(%dma_start3A_107 : memref<40x128xi32, #tpu.memory_space<hbm>>) target(%arg6 : memref<40x128xi32, #tpu.memory_space<vmem>>) target_semaphore(%run_scoped3A_103 : memref<!tpu.dma_semaphore, #tpu.memory_space<semaphore_mem>>)
      %dma_wait3A_108 = arith.constant 0 : i32
      %dma_wait3A_109 = tpu.memref_slice %arg3[%add3A_51, %dma_wait3A_108] : memref<1280x128xi32, #tpu.memory_space<hbm>> -> memref<40x128xi32, #tpu.memory_space<hbm>>
      %dma_wait3A_110 = arith.constant 0 : i32
      %dma_wait3A_111 = tpu.memref_slice %arg3[%add3A_51, %dma_wait3A_110] : memref<1280x128xi32, #tpu.memory_space<hbm>> -> memref<40x128xi32, #tpu.memory_space<hbm>>
      tpu.wait_dma2 semaphore(%run_scoped3A_103 : memref<!tpu.dma_semaphore, #tpu.memory_space<semaphore_mem>>) src(%dma_wait3A_111 : memref<40x128xi32, #tpu.memory_space<hbm>>) dst(%arg6 : memref<40x128xi32, #tpu.memory_space<vmem>>)
      tpu.yield
    }) : () -> ()
    "tpu.region"() ({
      %run_scoped3A_103 = tpu.sem_alloc : memref<!tpu.dma_semaphore, #tpu.memory_space<semaphore_mem>>
      %dma_start3A_104 = arith.constant 0 : i32
      %dma_start3A_105 = tpu.memref_slice %arg4[%add3A_51, %dma_start3A_104] : memref<1280x128xi32, #tpu.memory_space<hbm>> -> memref<40x128xi32, #tpu.memory_space<hbm>>
      %dma_start3A_106 = arith.constant 0 : i32
      %dma_start3A_107 = tpu.memref_slice %arg4[%add3A_51, %dma_start3A_106] : memref<1280x128xi32, #tpu.memory_space<hbm>> -> memref<40x128xi32, #tpu.memory_space<hbm>>
      tpu.enqueue_dma source(%dma_start3A_107 : memref<40x128xi32, #tpu.memory_space<hbm>>) target(%arg7 : memref<40x128xi32, #tpu.memory_space<vmem>>) target_semaphore(%run_scoped3A_103 : memref<!tpu.dma_semaphore, #tpu.memory_space<semaphore_mem>>)
      %dma_wait3A_108 = arith.constant 0 : i32
      %dma_wait3A_109 = tpu.memref_slice %arg4[%add3A_51, %dma_wait3A_108] : memref<1280x128xi32, #tpu.memory_space<hbm>> -> memref<40x128xi32, #tpu.memory_space<hbm>>
      %dma_wait3A_110 = arith.constant 0 : i32
      %dma_wait3A_111 = tpu.memref_slice %arg4[%add3A_51, %dma_wait3A_110] : memref<1280x128xi32, #tpu.memory_space<hbm>> -> memref<40x128xi32, #tpu.memory_space<hbm>>
      tpu.wait_dma2 semaphore(%run_scoped3A_103 : memref<!tpu.dma_semaphore, #tpu.memory_space<semaphore_mem>>) src(%dma_wait3A_111 : memref<40x128xi32, #tpu.memory_space<hbm>>) dst(%arg7 : memref<40x128xi32, #tpu.memory_space<vmem>>)
      tpu.yield
    }) : () -> ()
    %dma_start3A_52 = arith.constant 0 : i32
    %dma_start3A_53 = arith.constant 0 : i32
    %dma_start3A_54 = tpu.memref_slice %arg6[%dma_start3A_52, %dma_start3A_53] : memref<40x128xi32, #tpu.memory_space<vmem>> -> memref<1x128xi32, #tpu.memory_space<vmem>>
    %dma_start3A_55 = tpu.memref_squeeze %dma_start3A_54 : memref<1x128xi32, #tpu.memory_space<vmem>> -> memref<128xi32, #tpu.memory_space<vmem>>
    %dma_start3A_56 = arith.constant 0 : i32
    %dma_start3A_57 = arith.constant 0 : i32
    %dma_start3A_58 = tpu.memref_slice %arg2[%arg0, %dma_start3A_56, %dma_start3A_57] : memref<2x10240x128xf32, #tpu.memory_space<hbm>> -> memref<1x10240x128xf32, #tpu.memory_space<hbm>>
    %dma_start3A_59 = tpu.memref_squeeze %dma_start3A_58 : memref<1x10240x128xf32, #tpu.memory_space<hbm>> -> memref<10240x128xf32, #tpu.memory_space<hbm>>
    %dma_start3A_60 = arith.constant 0 : i32
    %dma_start3A_61 = arith.constant 0 : i32
    %dma_start3A_62 = tpu.memref_slice %dma_start3A_59[%dma_start3A_60, %dma_start3A_61] : memref<10240x128xf32, #tpu.memory_space<hbm>> -> memref<10240x128xf32, #tpu.memory_space<hbm>>
    tpu.enqueue_indirect_dma source(%dma_start3A_62 : memref<10240x128xf32, #tpu.memory_space<hbm>>) target(%arg8 : memref<128x128xf32, #tpu.memory_space<vmem>>) offsets(%dma_start3A_55 : memref<128xi32, #tpu.memory_space<vmem>>) semaphore(%arg11 : memref<!tpu.dma_semaphore, #tpu.memory_space<semaphore_mem>>)
    %dma_start3A_63 = arith.constant 1 : i32
    %dma_start3A_64 = arith.constant 0 : i32
    %dma_start3A_65 = tpu.memref_slice %arg6[%dma_start3A_63, %dma_start3A_64] : memref<40x128xi32, #tpu.memory_space<vmem>> -> memref<1x128xi32, #tpu.memory_space<vmem>>
    %dma_start3A_66 = tpu.memref_squeeze %dma_start3A_65 : memref<1x128xi32, #tpu.memory_space<vmem>> -> memref<128xi32, #tpu.memory_space<vmem>>
    %dma_start3A_67 = arith.constant 0 : i32
    %dma_start3A_68 = arith.constant 0 : i32
    %dma_start3A_69 = tpu.memref_slice %arg2[%arg0, %dma_start3A_67, %dma_start3A_68] : memref<2x10240x128xf32, #tpu.memory_space<hbm>> -> memref<1x10240x128xf32, #tpu.memory_space<hbm>>
    %dma_start3A_70 = tpu.memref_squeeze %dma_start3A_69 : memref<1x10240x128xf32, #tpu.memory_space<hbm>> -> memref<10240x128xf32, #tpu.memory_space<hbm>>
    %dma_start3A_71 = arith.constant 0 : i32
    %dma_start3A_72 = arith.constant 0 : i32
    %dma_start3A_73 = tpu.memref_slice %dma_start3A_70[%dma_start3A_71, %dma_start3A_72] : memref<10240x128xf32, #tpu.memory_space<hbm>> -> memref<10240x128xf32, #tpu.memory_space<hbm>>
    tpu.enqueue_indirect_dma source(%dma_start3A_73 : memref<10240x128xf32, #tpu.memory_space<hbm>>) target(%arg9 : memref<128x128xf32, #tpu.memory_space<vmem>>) offsets(%dma_start3A_66 : memref<128xi32, #tpu.memory_space<vmem>>) semaphore(%arg12 : memref<!tpu.dma_semaphore, #tpu.memory_space<semaphore_mem>>)
    %scan3A_74 = arith.constant 0 : i32
    %scan3A_75 = arith.constant 0 : i32
    %scan3A_76 = arith.constant 19 : i32
    %scan3A_77 = arith.addi %scan3A_75, %scan3A_76 : i32
    %scan3A_78 = arith.constant 1 : i32
    scf.for %scan3A_103 = %scan3A_75 to %scan3A_77 step %scan3A_78  : i32 {
      %mul3A_104 = arith.constant 2 : i32
      %mul3A_105 = arith.muli %scan3A_103, %mul3A_104 : i32
      %dma_wait3A_106 = arith.constant 0 : i32
      %dma_wait3A_107 = arith.constant 0 : i32
      %dma_wait3A_108 = tpu.memref_slice %arg2[%arg0, %dma_wait3A_106, %dma_wait3A_107] : memref<2x10240x128xf32, #tpu.memory_space<hbm>> -> memref<1x128x128xf32, #tpu.memory_space<hbm>>
      %dma_wait3A_109 = tpu.memref_squeeze %dma_wait3A_108 : memref<1x128x128xf32, #tpu.memory_space<hbm>> -> memref<128x128xf32, #tpu.memory_space<hbm>>
      %dma_wait3A_110 = arith.constant 0 : i32
      %dma_wait3A_111 = arith.constant 0 : i32
      %dma_wait3A_112 = tpu.memref_slice %arg2[%arg0, %dma_wait3A_110, %dma_wait3A_111] : memref<2x10240x128xf32, #tpu.memory_space<hbm>> -> memref<1x128x128xf32, #tpu.memory_space<hbm>>
      %dma_wait3A_113 = tpu.memref_squeeze %dma_wait3A_112 : memref<1x128x128xf32, #tpu.memory_space<hbm>> -> memref<128x128xf32, #tpu.memory_space<hbm>>
      tpu.wait_dma2 semaphore(%arg11 : memref<!tpu.dma_semaphore, #tpu.memory_space<semaphore_mem>>) src(%dma_wait3A_113 : memref<128x128xf32, #tpu.memory_space<hbm>>) dst(%arg8 : memref<128x128xf32, #tpu.memory_space<vmem>>)
      %add3A_114 = arith.constant 0 : i32
      %add3A_115 = arith.addi %mul3A_105, %add3A_114 : i32
      "tpu.region"() ({
        %run_scoped3A_154 = tpu.sem_alloc : memref<!tpu.dma_semaphore, #tpu.memory_space<semaphore_mem>>
        %dma_start3A_155 = arith.constant 0 : i32
        %dma_start3A_156 = tpu.memref_slice %arg7[%add3A_115, %dma_start3A_155] : memref<40x128xi32, #tpu.memory_space<vmem>> -> memref<1x128xi32, #tpu.memory_space<vmem>>
        %dma_start3A_157 = tpu.memref_squeeze %dma_start3A_156 : memref<1x128xi32, #tpu.memory_space<vmem>> -> memref<128xi32, #tpu.memory_space<vmem>>
        %dma_start3A_158 = arith.constant 0 : i32
        %dma_start3A_159 = arith.constant 0 : i32
        %dma_start3A_160 = tpu.memref_slice %arg10[%dma_start3A_158, %dma_start3A_159] : memref<10240x128xf32, #tpu.memory_space<vmem_shared>> -> memref<10240x128xf32, #tpu.memory_space<vmem_shared>>
        tpu.enqueue_indirect_dma source(%arg8 : memref<128x128xf32, #tpu.memory_space<vmem>>) target(%dma_start3A_160 : memref<10240x128xf32, #tpu.memory_space<vmem_shared>>) offsets(%dma_start3A_157 : memref<128xi32, #tpu.memory_space<vmem>>) semaphore(%run_scoped3A_154 : memref<!tpu.dma_semaphore, #tpu.memory_space<semaphore_mem>>) {add = true}
        %dma_wait3A_161 = arith.constant 0 : i32
        %dma_wait3A_162 = tpu.memref_slice %arg7[%add3A_115, %dma_wait3A_161] : memref<40x128xi32, #tpu.memory_space<vmem>> -> memref<1x128xi32, #tpu.memory_space<vmem>>
        %dma_wait3A_163 = tpu.memref_squeeze %dma_wait3A_162 : memref<1x128xi32, #tpu.memory_space<vmem>> -> memref<128xi32, #tpu.memory_space<vmem>>
        %dma_wait3A_164 = arith.constant 0 : i32
        %dma_wait3A_165 = arith.constant 0 : i32
        %dma_wait3A_166 = tpu.memref_slice %arg10[%dma_wait3A_164, %dma_wait3A_165] : memref<10240x128xf32, #tpu.memory_space<vmem_shared>> -> memref<10240x128xf32, #tpu.memory_space<vmem_shared>>
        tpu.wait_indirect_dma semaphore(%run_scoped3A_154 : memref<!tpu.dma_semaphore, #tpu.memory_space<semaphore_mem>>) src(%arg8 : memref<128x128xf32, #tpu.memory_space<vmem>>) dst(%dma_wait3A_166 : memref<10240x128xf32, #tpu.memory_space<vmem_shared>>)
        tpu.yield
      }) : () -> ()
      %add3A_116 = arith.constant 0 : i32
      %add3A_117 = arith.addi %mul3A_105, %add3A_116 : i32
      %add3A_118 = arith.constant 2 : i32
      %add3A_119 = arith.addi %add3A_117, %add3A_118 : i32
      %dma_start3A_120 = arith.constant 0 : i32
      %dma_start3A_121 = tpu.memref_slice %arg6[%add3A_119, %dma_start3A_120] : memref<40x128xi32, #tpu.memory_space<vmem>> -> memref<1x128xi32, #tpu.memory_space<vmem>>
      %dma_start3A_122 = tpu.memref_squeeze %dma_start3A_121 : memref<1x128xi32, #tpu.memory_space<vmem>> -> memref<128xi32, #tpu.memory_space<vmem>>
      %dma_start3A_123 = arith.constant 0 : i32
      %dma_start3A_124 = arith.constant 0 : i32
      %dma_start3A_125 = tpu.memref_slice %arg2[%arg0, %dma_start3A_123, %dma_start3A_124] : memref<2x10240x128xf32, #tpu.memory_space<hbm>> -> memref<1x10240x128xf32, #tpu.memory_space<hbm>>
      %dma_start3A_126 = tpu.memref_squeeze %dma_start3A_125 : memref<1x10240x128xf32, #tpu.memory_space<hbm>> -> memref<10240x128xf32, #tpu.memory_space<hbm>>
      %dma_start3A_127 = arith.constant 0 : i32
      %dma_start3A_128 = arith.constant 0 : i32
      %dma_start3A_129 = tpu.memref_slice %dma_start3A_126[%dma_start3A_127, %dma_start3A_128] : memref<10240x128xf32, #tpu.memory_space<hbm>> -> memref<10240x128xf32, #tpu.memory_space<hbm>>
      tpu.enqueue_indirect_dma source(%dma_start3A_129 : memref<10240x128xf32, #tpu.memory_space<hbm>>) target(%arg8 : memref<128x128xf32, #tpu.memory_space<vmem>>) offsets(%dma_start3A_122 : memref<128xi32, #tpu.memory_space<vmem>>) semaphore(%arg11 : memref<!tpu.dma_semaphore, #tpu.memory_space<semaphore_mem>>)
      %dma_wait3A_130 = arith.constant 0 : i32
      %dma_wait3A_131 = arith.constant 0 : i32
      %dma_wait3A_132 = tpu.memref_slice %arg2[%arg0, %dma_wait3A_130, %dma_wait3A_131] : memref<2x10240x128xf32, #tpu.memory_space<hbm>> -> memref<1x128x128xf32, #tpu.memory_space<hbm>>
      %dma_wait3A_133 = tpu.memref_squeeze %dma_wait3A_132 : memref<1x128x128xf32, #tpu.memory_space<hbm>> -> memref<128x128xf32, #tpu.memory_space<hbm>>
      %dma_wait3A_134 = arith.constant 0 : i32
      %dma_wait3A_135 = arith.constant 0 : i32
      %dma_wait3A_136 = tpu.memref_slice %arg2[%arg0, %dma_wait3A_134, %dma_wait3A_135] : memref<2x10240x128xf32, #tpu.memory_space<hbm>> -> memref<1x128x128xf32, #tpu.memory_space<hbm>>
      %dma_wait3A_137 = tpu.memref_squeeze %dma_wait3A_136 : memref<1x128x128xf32, #tpu.memory_space<hbm>> -> memref<128x128xf32, #tpu.memory_space<hbm>>
      tpu.wait_dma2 semaphore(%arg12 : memref<!tpu.dma_semaphore, #tpu.memory_space<semaphore_mem>>) src(%dma_wait3A_137 : memref<128x128xf32, #tpu.memory_space<hbm>>) dst(%arg9 : memref<128x128xf32, #tpu.memory_space<vmem>>)
      %add3A_138 = arith.constant 1 : i32
      %add3A_139 = arith.addi %mul3A_105, %add3A_138 : i32
      "tpu.region"() ({
        %run_scoped3A_154 = tpu.sem_alloc : memref<!tpu.dma_semaphore, #tpu.memory_space<semaphore_mem>>
        %dma_start3A_155 = arith.constant 0 : i32
        %dma_start3A_156 = tpu.memref_slice %arg7[%add3A_139, %dma_start3A_155] : memref<40x128xi32, #tpu.memory_space<vmem>> -> memref<1x128xi32, #tpu.memory_space<vmem>>
        %dma_start3A_157 = tpu.memref_squeeze %dma_start3A_156 : memref<1x128xi32, #tpu.memory_space<vmem>> -> memref<128xi32, #tpu.memory_space<vmem>>
        %dma_start3A_158 = arith.constant 0 : i32
        %dma_start3A_159 = arith.constant 0 : i32
        %dma_start3A_160 = tpu.memref_slice %arg10[%dma_start3A_158, %dma_start3A_159] : memref<10240x128xf32, #tpu.memory_space<vmem_shared>> -> memref<10240x128xf32, #tpu.memory_space<vmem_shared>>
        tpu.enqueue_indirect_dma source(%arg9 : memref<128x128xf32, #tpu.memory_space<vmem>>) target(%dma_start3A_160 : memref<10240x128xf32, #tpu.memory_space<vmem_shared>>) offsets(%dma_start3A_157 : memref<128xi32, #tpu.memory_space<vmem>>) semaphore(%run_scoped3A_154 : memref<!tpu.dma_semaphore, #tpu.memory_space<semaphore_mem>>) {add = true}
        %dma_wait3A_161 = arith.constant 0 : i32
        %dma_wait3A_162 = tpu.memref_slice %arg7[%add3A_139, %dma_wait3A_161] : memref<40x128xi32, #tpu.memory_space<vmem>> -> memref<1x128xi32, #tpu.memory_space<vmem>>
        %dma_wait3A_163 = tpu.memref_squeeze %dma_wait3A_162 : memref<1x128xi32, #tpu.memory_space<vmem>> -> memref<128xi32, #tpu.memory_space<vmem>>
        %dma_wait3A_164 = arith.constant 0 : i32
        %dma_wait3A_165 = arith.constant 0 : i32
        %dma_wait3A_166 = tpu.memref_slice %arg10[%dma_wait3A_164, %dma_wait3A_165] : memref<10240x128xf32, #tpu.memory_space<vmem_shared>> -> memref<10240x128xf32, #tpu.memory_space<vmem_shared>>
        tpu.wait_indirect_dma semaphore(%run_scoped3A_154 : memref<!tpu.dma_semaphore, #tpu.memory_space<semaphore_mem>>) src(%arg9 : memref<128x128xf32, #tpu.memory_space<vmem>>) dst(%dma_wait3A_166 : memref<10240x128xf32, #tpu.memory_space<vmem_shared>>)
        tpu.yield
      }) : () -> ()
      %add3A_140 = arith.constant 1 : i32
      %add3A_141 = arith.addi %mul3A_105, %add3A_140 : i32
      %add3A_142 = arith.constant 2 : i32
      %add3A_143 = arith.addi %add3A_141, %add3A_142 : i32
      %dma_start3A_144 = arith.constant 0 : i32
      %dma_start3A_145 = tpu.memref_slice %arg6[%add3A_143, %dma_start3A_144] : memref<40x128xi32, #tpu.memory_space<vmem>> -> memref<1x128xi32, #tpu.memory_space<vmem>>
      %dma_start3A_146 = tpu.memref_squeeze %dma_start3A_145 : memref<1x128xi32, #tpu.memory_space<vmem>> -> memref<128xi32, #tpu.memory_space<vmem>>
      %dma_start3A_147 = arith.constant 0 : i32
      %dma_start3A_148 = arith.constant 0 : i32
      %dma_start3A_149 = tpu.memref_slice %arg2[%arg0, %dma_start3A_147, %dma_start3A_148] : memref<2x10240x128xf32, #tpu.memory_space<hbm>> -> memref<1x10240x128xf32, #tpu.memory_space<hbm>>
      %dma_start3A_150 = tpu.memref_squeeze %dma_start3A_149 : memref<1x10240x128xf32, #tpu.memory_space<hbm>> -> memref<10240x128xf32, #tpu.memory_space<hbm>>
      %dma_start3A_151 = arith.constant 0 : i32
      %dma_start3A_152 = arith.constant 0 : i32
      %dma_start3A_153 = tpu.memref_slice %dma_start3A_150[%dma_start3A_151, %dma_start3A_152] : memref<10240x128xf32, #tpu.memory_space<hbm>> -> memref<10240x128xf32, #tpu.memory_space<hbm>>
      tpu.enqueue_indirect_dma source(%dma_start3A_153 : memref<10240x128xf32, #tpu.memory_space<hbm>>) target(%arg9 : memref<128x128xf32, #tpu.memory_space<vmem>>) offsets(%dma_start3A_146 : memref<128xi32, #tpu.memory_space<vmem>>) semaphore(%arg12 : memref<!tpu.dma_semaphore, #tpu.memory_space<semaphore_mem>>)
    }
    %scan3A_79 = arith.constant 19 : i32
    %dma_wait3A_80 = arith.constant 0 : i32
    %dma_wait3A_81 = arith.constant 0 : i32
    %dma_wait3A_82 = tpu.memref_slice %arg2[%arg0, %dma_wait3A_80, %dma_wait3A_81] : memref<2x10240x128xf32, #tpu.memory_space<hbm>> -> memref<1x128x128xf32, #tpu.memory_space<hbm>>
    %dma_wait3A_83 = tpu.memref_squeeze %dma_wait3A_82 : memref<1x128x128xf32, #tpu.memory_space<hbm>> -> memref<128x128xf32, #tpu.memory_space<hbm>>
    %dma_wait3A_84 = arith.constant 0 : i32
    %dma_wait3A_85 = arith.constant 0 : i32
    %dma_wait3A_86 = tpu.memref_slice %arg2[%arg0, %dma_wait3A_84, %dma_wait3A_85] : memref<2x10240x128xf32, #tpu.memory_space<hbm>> -> memref<1x128x128xf32, #tpu.memory_space<hbm>>
    %dma_wait3A_87 = tpu.memref_squeeze %dma_wait3A_86 : memref<1x128x128xf32, #tpu.memory_space<hbm>> -> memref<128x128xf32, #tpu.memory_space<hbm>>
    tpu.wait_dma2 semaphore(%arg11 : memref<!tpu.dma_semaphore, #tpu.memory_space<semaphore_mem>>) src(%dma_wait3A_87 : memref<128x128xf32, #tpu.memory_space<hbm>>) dst(%arg8 : memref<128x128xf32, #tpu.memory_space<vmem>>)
    %run_scoped3A_88 = arith.constant 38 : i32
    "tpu.region"() ({
      %run_scoped3A_103 = tpu.sem_alloc : memref<!tpu.dma_semaphore, #tpu.memory_space<semaphore_mem>>
      %dma_start3A_104 = arith.constant 0 : i32
      %dma_start3A_105 = tpu.memref_slice %arg7[%run_scoped3A_88, %dma_start3A_104] : memref<40x128xi32, #tpu.memory_space<vmem>> -> memref<1x128xi32, #tpu.memory_space<vmem>>
      %dma_start3A_106 = tpu.memref_squeeze %dma_start3A_105 : memref<1x128xi32, #tpu.memory_space<vmem>> -> memref<128xi32, #tpu.memory_space<vmem>>
      %dma_start3A_107 = arith.constant 0 : i32
      %dma_start3A_108 = arith.constant 0 : i32
      %dma_start3A_109 = tpu.memref_slice %arg10[%dma_start3A_107, %dma_start3A_108] : memref<10240x128xf32, #tpu.memory_space<vmem_shared>> -> memref<10240x128xf32, #tpu.memory_space<vmem_shared>>
      tpu.enqueue_indirect_dma source(%arg8 : memref<128x128xf32, #tpu.memory_space<vmem>>) target(%dma_start3A_109 : memref<10240x128xf32, #tpu.memory_space<vmem_shared>>) offsets(%dma_start3A_106 : memref<128xi32, #tpu.memory_space<vmem>>) semaphore(%run_scoped3A_103 : memref<!tpu.dma_semaphore, #tpu.memory_space<semaphore_mem>>) {add = true}
      %dma_wait3A_110 = arith.constant 0 : i32
      %dma_wait3A_111 = tpu.memref_slice %arg7[%run_scoped3A_88, %dma_wait3A_110] : memref<40x128xi32, #tpu.memory_space<vmem>> -> memref<1x128xi32, #tpu.memory_space<vmem>>
      %dma_wait3A_112 = tpu.memref_squeeze %dma_wait3A_111 : memref<1x128xi32, #tpu.memory_space<vmem>> -> memref<128xi32, #tpu.memory_space<vmem>>
      %dma_wait3A_113 = arith.constant 0 : i32
      %dma_wait3A_114 = arith.constant 0 : i32
      %dma_wait3A_115 = tpu.memref_slice %arg10[%dma_wait3A_113, %dma_wait3A_114] : memref<10240x128xf32, #tpu.memory_space<vmem_shared>> -> memref<10240x128xf32, #tpu.memory_space<vmem_shared>>
      tpu.wait_indirect_dma semaphore(%run_scoped3A_103 : memref<!tpu.dma_semaphore, #tpu.memory_space<semaphore_mem>>) src(%arg8 : memref<128x128xf32, #tpu.memory_space<vmem>>) dst(%dma_wait3A_115 : memref<10240x128xf32, #tpu.memory_space<vmem_shared>>)
      tpu.yield
    }) : () -> ()
    %dma_wait3A_89 = arith.constant 0 : i32
    %dma_wait3A_90 = arith.constant 0 : i32
    %dma_wait3A_91 = tpu.memref_slice %arg2[%arg0, %dma_wait3A_89, %dma_wait3A_90] : memref<2x10240x128xf32, #tpu.memory_space<hbm>> -> memref<1x128x128xf32, #tpu.memory_space<hbm>>
    %dma_wait3A_92 = tpu.memref_squeeze %dma_wait3A_91 : memref<1x128x128xf32, #tpu.memory_space<hbm>> -> memref<128x128xf32, #tpu.memory_space<hbm>>
    %dma_wait3A_93 = arith.constant 0 : i32
    %dma_wait3A_94 = arith.constant 0 : i32
    %dma_wait3A_95 = tpu.memref_slice %arg2[%arg0, %dma_wait3A_93, %dma_wait3A_94] : memref<2x10240x128xf32, #tpu.memory_space<hbm>> -> memref<1x128x128xf32, #tpu.memory_space<hbm>>
    %dma_wait3A_96 = tpu.memref_squeeze %dma_wait3A_95 : memref<1x128x128xf32, #tpu.memory_space<hbm>> -> memref<128x128xf32, #tpu.memory_space<hbm>>
    tpu.wait_dma2 semaphore(%arg12 : memref<!tpu.dma_semaphore, #tpu.memory_space<semaphore_mem>>) src(%dma_wait3A_96 : memref<128x128xf32, #tpu.memory_space<hbm>>) dst(%arg9 : memref<128x128xf32, #tpu.memory_space<vmem>>)
    %run_scoped3A_97 = arith.constant 39 : i32
    "tpu.region"() ({
      %run_scoped3A_103 = tpu.sem_alloc : memref<!tpu.dma_semaphore, #tpu.memory_space<semaphore_mem>>
      %dma_start3A_104 = arith.constant 0 : i32
      %dma_start3A_105 = tpu.memref_slice %arg7[%run_scoped3A_97, %dma_start3A_104] : memref<40x128xi32, #tpu.memory_space<vmem>> -> memref<1x128xi32, #tpu.memory_space<vmem>>
      %dma_start3A_106 = tpu.memref_squeeze %dma_start3A_105 : memref<1x128xi32, #tpu.memory_space<vmem>> -> memref<128xi32, #tpu.memory_space<vmem>>
      %dma_start3A_107 = arith.constant 0 : i32
      %dma_start3A_108 = arith.constant 0 : i32
      %dma_start3A_109 = tpu.memref_slice %arg10[%dma_start3A_107, %dma_start3A_108] : memref<10240x128xf32, #tpu.memory_space<vmem_shared>> -> memref<10240x128xf32, #tpu.memory_space<vmem_shared>>
      tpu.enqueue_indirect_dma source(%arg9 : memref<128x128xf32, #tpu.memory_space<vmem>>) target(%dma_start3A_109 : memref<10240x128xf32, #tpu.memory_space<vmem_shared>>) offsets(%dma_start3A_106 : memref<128xi32, #tpu.memory_space<vmem>>) semaphore(%run_scoped3A_103 : memref<!tpu.dma_semaphore, #tpu.memory_space<semaphore_mem>>) {add = true}
      %dma_wait3A_110 = arith.constant 0 : i32
      %dma_wait3A_111 = tpu.memref_slice %arg7[%run_scoped3A_97, %dma_wait3A_110] : memref<40x128xi32, #tpu.memory_space<vmem>> -> memref<1x128xi32, #tpu.memory_space<vmem>>
      %dma_wait3A_112 = tpu.memref_squeeze %dma_wait3A_111 : memref<1x128xi32, #tpu.memory_space<vmem>> -> memref<128xi32, #tpu.memory_space<vmem>>
      %dma_wait3A_113 = arith.constant 0 : i32
      %dma_wait3A_114 = arith.constant 0 : i32
      %dma_wait3A_115 = tpu.memref_slice %arg10[%dma_wait3A_113, %dma_wait3A_114] : memref<10240x128xf32, #tpu.memory_space<vmem_shared>> -> memref<10240x128xf32, #tpu.memory_space<vmem_shared>>
      tpu.wait_indirect_dma semaphore(%run_scoped3A_103 : memref<!tpu.dma_semaphore, #tpu.memory_space<semaphore_mem>>) src(%arg9 : memref<128x128xf32, #tpu.memory_space<vmem>>) dst(%dma_wait3A_115 : memref<10240x128xf32, #tpu.memory_space<vmem_shared>>)
      tpu.yield
    }) : () -> ()
    %barrier3A_98 = arith.constant 0 : index
    tpu.barrier barrier_id(%barrier3A_98)
    %mul3A_99 = arith.constant 640 : i32
    %mul3A_100 = arith.muli %arg1, %mul3A_99 : i32
    %mul3A_101 = arith.constant 640 : i32
    %mul3A_102 = arith.muli %arg1, %mul3A_101 : i32
    "tpu.region"() ({
      %run_scoped3A_103 = tpu.sem_alloc : memref<!tpu.dma_semaphore, #tpu.memory_space<semaphore_mem>>
      %dma_start3A_104 = arith.constant 0 : i32
      %dma_start3A_105 = tpu.memref_slice %arg5[%arg0, %mul3A_102, %dma_start3A_104] : memref<2x10240x128xf32, #tpu.memory_space<hbm>> -> memref<1x640x128xf32, #tpu.memory_space<hbm>>
      %dma_start3A_106 = tpu.memref_squeeze %dma_start3A_105 : memref<1x640x128xf32, #tpu.memory_space<hbm>> -> memref<640x128xf32, #tpu.memory_space<hbm>>
      %dma_start3A_107 = arith.constant 0 : i32
      %dma_start3A_108 = tpu.memref_slice %arg10[%mul3A_100, %dma_start3A_107] : memref<10240x128xf32, #tpu.memory_space<vmem_shared>> -> memref<640x128xf32, #tpu.memory_space<vmem_shared>>
      tpu.enqueue_dma source(%dma_start3A_108 : memref<640x128xf32, #tpu.memory_space<vmem_shared>>) target(%dma_start3A_106 : memref<640x128xf32, #tpu.memory_space<hbm>>) target_semaphore(%run_scoped3A_103 : memref<!tpu.dma_semaphore, #tpu.memory_space<semaphore_mem>>)
      %dma_wait3A_109 = arith.constant 0 : i32
      %dma_wait3A_110 = tpu.memref_slice %arg5[%arg0, %mul3A_102, %dma_wait3A_109] : memref<2x10240x128xf32, #tpu.memory_space<hbm>> -> memref<1x640x128xf32, #tpu.memory_space<hbm>>
      %dma_wait3A_111 = tpu.memref_squeeze %dma_wait3A_110 : memref<1x640x128xf32, #tpu.memory_space<hbm>> -> memref<640x128xf32, #tpu.memory_space<hbm>>
      %dma_wait3A_112 = arith.constant 0 : i32
      %dma_wait3A_113 = tpu.memref_slice %arg10[%mul3A_100, %dma_wait3A_112] : memref<10240x128xf32, #tpu.memory_space<vmem_shared>> -> memref<640x128xf32, #tpu.memory_space<vmem_shared>>
      tpu.wait_dma2 semaphore(%run_scoped3A_103 : memref<!tpu.dma_semaphore, #tpu.memory_space<semaphore_mem>>) src(%dma_wait3A_113 : memref<640x128xf32, #tpu.memory_space<vmem_shared>>) dst(%dma_wait3A_111 : memref<640x128xf32, #tpu.memory_space<hbm>>)
      tpu.yield
    }) : () -> ()
    return
  }
}

#map = affine_map<(d0, d1) -> (0, 0)>
#map1 = affine_map<(d0, d1) -> (0, 0, 0)>
module attributes {stable_mosaic.version = 14 : i64} {
  func.func @_deg_kernel(%arg0: i32, %arg1: i32, %arg2: memref<1280x128xi32, #tpu.memory_space<hbm>>, %arg3: memref<10240x128xf32, #tpu.memory_space<hbm>>, %arg4: memref<128x128xf32, #tpu.memory_space<hbm>>, %arg5: memref<2x10240x128xf32, #tpu.memory_space<hbm>>, %arg6: memref<40x128xi32, #tpu.memory_space<vmem>>, %arg7: memref<128x128xf32, #tpu.memory_space<vmem>>, %arg8: memref<10240x128xf32, #tpu.memory_space<vmem_shared>>) attributes {dimension_semantics = [#tpu.dimension_semantics<core_parallel>, #tpu.dimension_semantics<subcore_parallel>], iteration_bounds = array<i64: 2, 16>, scalar_prefetch = 0 : i64, scratch_operands = 3 : i64, tpu.core_type = #tpu.core_type<sc_vector_subcore>, window_params = [{transform_indices = #map}, {transform_indices = #map}, {transform_indices = #map}, {transform_indices = #map1}]} {
    %mul3A = arith.constant 16 : i32
    %mul3A_0 = arith.muli %arg0, %mul3A : i32
    %add3A = arith.addi %mul3A_0, %arg1 : i32
    %mul3A_1 = arith.constant 640 : i32
    %mul3A_2 = arith.muli %arg1, %mul3A_1 : i32
    %mul3A_3 = arith.constant 640 : i32
    %mul3A_4 = arith.muli %arg1, %mul3A_3 : i32
    "tpu.region"() ({
      %run_scoped3A = tpu.sem_alloc : memref<!tpu.dma_semaphore, #tpu.memory_space<semaphore_mem>>
      %dma_start3A = arith.constant 0 : i32
      %dma_start3A_17 = tpu.memref_slice %arg8[%mul3A_4, %dma_start3A] : memref<10240x128xf32, #tpu.memory_space<vmem_shared>> -> memref<640x128xf32, #tpu.memory_space<vmem_shared>>
      %dma_start3A_18 = arith.constant 0 : i32
      %dma_start3A_19 = tpu.memref_slice %arg3[%mul3A_2, %dma_start3A_18] : memref<10240x128xf32, #tpu.memory_space<hbm>> -> memref<640x128xf32, #tpu.memory_space<hbm>>
      tpu.enqueue_dma source(%dma_start3A_19 : memref<640x128xf32, #tpu.memory_space<hbm>>) target(%dma_start3A_17 : memref<640x128xf32, #tpu.memory_space<vmem_shared>>) target_semaphore(%run_scoped3A : memref<!tpu.dma_semaphore, #tpu.memory_space<semaphore_mem>>)
      %dma_wait3A = arith.constant 0 : i32
      %dma_wait3A_20 = tpu.memref_slice %arg8[%mul3A_4, %dma_wait3A] : memref<10240x128xf32, #tpu.memory_space<vmem_shared>> -> memref<640x128xf32, #tpu.memory_space<vmem_shared>>
      %dma_wait3A_21 = arith.constant 0 : i32
      %dma_wait3A_22 = tpu.memref_slice %arg3[%mul3A_2, %dma_wait3A_21] : memref<10240x128xf32, #tpu.memory_space<hbm>> -> memref<640x128xf32, #tpu.memory_space<hbm>>
      tpu.wait_dma2 semaphore(%run_scoped3A : memref<!tpu.dma_semaphore, #tpu.memory_space<semaphore_mem>>) src(%dma_wait3A_22 : memref<640x128xf32, #tpu.memory_space<hbm>>) dst(%dma_wait3A_20 : memref<640x128xf32, #tpu.memory_space<vmem_shared>>)
      tpu.yield
    }) : () -> ()
    %mul3A_5 = arith.constant 40 : i32
    %mul3A_6 = arith.muli %add3A, %mul3A_5 : i32
    "tpu.region"() ({
      %run_scoped3A = tpu.sem_alloc : memref<!tpu.dma_semaphore, #tpu.memory_space<semaphore_mem>>
      %dma_start3A = arith.constant 0 : i32
      %dma_start3A_17 = tpu.memref_slice %arg2[%mul3A_6, %dma_start3A] : memref<1280x128xi32, #tpu.memory_space<hbm>> -> memref<40x128xi32, #tpu.memory_space<hbm>>
      %dma_start3A_18 = arith.constant 0 : i32
      %dma_start3A_19 = tpu.memref_slice %arg2[%mul3A_6, %dma_start3A_18] : memref<1280x128xi32, #tpu.memory_space<hbm>> -> memref<40x128xi32, #tpu.memory_space<hbm>>
      tpu.enqueue_dma source(%dma_start3A_19 : memref<40x128xi32, #tpu.memory_space<hbm>>) target(%arg6 : memref<40x128xi32, #tpu.memory_space<vmem>>) target_semaphore(%run_scoped3A : memref<!tpu.dma_semaphore, #tpu.memory_space<semaphore_mem>>)
      %dma_wait3A = arith.constant 0 : i32
      %dma_wait3A_20 = tpu.memref_slice %arg2[%mul3A_6, %dma_wait3A] : memref<1280x128xi32, #tpu.memory_space<hbm>> -> memref<40x128xi32, #tpu.memory_space<hbm>>
      %dma_wait3A_21 = arith.constant 0 : i32
      %dma_wait3A_22 = tpu.memref_slice %arg2[%mul3A_6, %dma_wait3A_21] : memref<1280x128xi32, #tpu.memory_space<hbm>> -> memref<40x128xi32, #tpu.memory_space<hbm>>
      tpu.wait_dma2 semaphore(%run_scoped3A : memref<!tpu.dma_semaphore, #tpu.memory_space<semaphore_mem>>) src(%dma_wait3A_22 : memref<40x128xi32, #tpu.memory_space<hbm>>) dst(%arg6 : memref<40x128xi32, #tpu.memory_space<vmem>>)
      tpu.yield
    }) : () -> ()
    "tpu.region"() ({
      %run_scoped3A = tpu.sem_alloc : memref<!tpu.dma_semaphore, #tpu.memory_space<semaphore_mem>>
      tpu.enqueue_dma source(%arg4 : memref<128x128xf32, #tpu.memory_space<hbm>>) target(%arg7 : memref<128x128xf32, #tpu.memory_space<vmem>>) target_semaphore(%run_scoped3A : memref<!tpu.dma_semaphore, #tpu.memory_space<semaphore_mem>>)
      tpu.wait_dma2 semaphore(%run_scoped3A : memref<!tpu.dma_semaphore, #tpu.memory_space<semaphore_mem>>) src(%arg4 : memref<128x128xf32, #tpu.memory_space<hbm>>) dst(%arg7 : memref<128x128xf32, #tpu.memory_space<vmem>>)
      tpu.yield
    }) : () -> ()
    %barrier3A = arith.constant 0 : index
    tpu.barrier barrier_id(%barrier3A)
    %scan3A = arith.constant 0 : i32
    %scan3A_7 = arith.constant 0 : i32
    %scan3A_8 = arith.constant 40 : i32
    %scan3A_9 = arith.addi %scan3A_7, %scan3A_8 : i32
    %scan3A_10 = arith.constant 1 : i32
    scf.for %scan3A_17 = %scan3A_7 to %scan3A_9 step %scan3A_10  : i32 {
      "tpu.region"() ({
        %run_scoped3A = tpu.sem_alloc : memref<!tpu.dma_semaphore, #tpu.memory_space<semaphore_mem>>
        %dma_start3A = arith.constant 0 : i32
        %dma_start3A_18 = tpu.memref_slice %arg6[%scan3A_17, %dma_start3A] : memref<40x128xi32, #tpu.memory_space<vmem>> -> memref<1x128xi32, #tpu.memory_space<vmem>>
        %dma_start3A_19 = tpu.memref_squeeze %dma_start3A_18 : memref<1x128xi32, #tpu.memory_space<vmem>> -> memref<128xi32, #tpu.memory_space<vmem>>
        %dma_start3A_20 = arith.constant 0 : i32
        %dma_start3A_21 = arith.constant 0 : i32
        %dma_start3A_22 = tpu.memref_slice %arg8[%dma_start3A_20, %dma_start3A_21] : memref<10240x128xf32, #tpu.memory_space<vmem_shared>> -> memref<10240x128xf32, #tpu.memory_space<vmem_shared>>
        tpu.enqueue_indirect_dma source(%arg7 : memref<128x128xf32, #tpu.memory_space<vmem>>) target(%dma_start3A_22 : memref<10240x128xf32, #tpu.memory_space<vmem_shared>>) offsets(%dma_start3A_19 : memref<128xi32, #tpu.memory_space<vmem>>) semaphore(%run_scoped3A : memref<!tpu.dma_semaphore, #tpu.memory_space<semaphore_mem>>) {add = true}
        %dma_wait3A = arith.constant 0 : i32
        %dma_wait3A_23 = tpu.memref_slice %arg6[%scan3A_17, %dma_wait3A] : memref<40x128xi32, #tpu.memory_space<vmem>> -> memref<1x128xi32, #tpu.memory_space<vmem>>
        %dma_wait3A_24 = tpu.memref_squeeze %dma_wait3A_23 : memref<1x128xi32, #tpu.memory_space<vmem>> -> memref<128xi32, #tpu.memory_space<vmem>>
        %dma_wait3A_25 = arith.constant 0 : i32
        %dma_wait3A_26 = arith.constant 0 : i32
        %dma_wait3A_27 = tpu.memref_slice %arg8[%dma_wait3A_25, %dma_wait3A_26] : memref<10240x128xf32, #tpu.memory_space<vmem_shared>> -> memref<10240x128xf32, #tpu.memory_space<vmem_shared>>
        tpu.wait_indirect_dma semaphore(%run_scoped3A : memref<!tpu.dma_semaphore, #tpu.memory_space<semaphore_mem>>) src(%arg7 : memref<128x128xf32, #tpu.memory_space<vmem>>) dst(%dma_wait3A_27 : memref<10240x128xf32, #tpu.memory_space<vmem_shared>>)
        tpu.yield
      }) : () -> ()
    }
    %scan3A_11 = arith.constant 40 : i32
    %barrier3A_12 = arith.constant 0 : index
    tpu.barrier barrier_id(%barrier3A_12)
    %mul3A_13 = arith.constant 640 : i32
    %mul3A_14 = arith.muli %arg1, %mul3A_13 : i32
    %mul3A_15 = arith.constant 640 : i32
    %mul3A_16 = arith.muli %arg1, %mul3A_15 : i32
    "tpu.region"() ({
      %run_scoped3A = tpu.sem_alloc : memref<!tpu.dma_semaphore, #tpu.memory_space<semaphore_mem>>
      %dma_start3A = arith.constant 0 : i32
      %dma_start3A_17 = tpu.memref_slice %arg5[%arg0, %mul3A_16, %dma_start3A] : memref<2x10240x128xf32, #tpu.memory_space<hbm>> -> memref<1x640x128xf32, #tpu.memory_space<hbm>>
      %dma_start3A_18 = tpu.memref_squeeze %dma_start3A_17 : memref<1x640x128xf32, #tpu.memory_space<hbm>> -> memref<640x128xf32, #tpu.memory_space<hbm>>
      %dma_start3A_19 = arith.constant 0 : i32
      %dma_start3A_20 = tpu.memref_slice %arg8[%mul3A_14, %dma_start3A_19] : memref<10240x128xf32, #tpu.memory_space<vmem_shared>> -> memref<640x128xf32, #tpu.memory_space<vmem_shared>>
      tpu.enqueue_dma source(%dma_start3A_20 : memref<640x128xf32, #tpu.memory_space<vmem_shared>>) target(%dma_start3A_18 : memref<640x128xf32, #tpu.memory_space<hbm>>) target_semaphore(%run_scoped3A : memref<!tpu.dma_semaphore, #tpu.memory_space<semaphore_mem>>)
      %dma_wait3A = arith.constant 0 : i32
      %dma_wait3A_21 = tpu.memref_slice %arg5[%arg0, %mul3A_16, %dma_wait3A] : memref<2x10240x128xf32, #tpu.memory_space<hbm>> -> memref<1x640x128xf32, #tpu.memory_space<hbm>>
      %dma_wait3A_22 = tpu.memref_squeeze %dma_wait3A_21 : memref<1x640x128xf32, #tpu.memory_space<hbm>> -> memref<640x128xf32, #tpu.memory_space<hbm>>
      %dma_wait3A_23 = arith.constant 0 : i32
      %dma_wait3A_24 = tpu.memref_slice %arg8[%mul3A_14, %dma_wait3A_23] : memref<10240x128xf32, #tpu.memory_space<vmem_shared>> -> memref<640x128xf32, #tpu.memory_space<vmem_shared>>
      tpu.wait_dma2 semaphore(%run_scoped3A : memref<!tpu.dma_semaphore, #tpu.memory_space<semaphore_mem>>) src(%dma_wait3A_24 : memref<640x128xf32, #tpu.memory_space<vmem_shared>>) dst(%dma_wait3A_22 : memref<640x128xf32, #tpu.memory_space<hbm>>)
      tpu.yield
    }) : () -> ()
    return
  }
}

#map = affine_map<(d0, d1) -> (0, 0, 0)>
#map1 = affine_map<(d0, d1) -> (0, 0)>
module attributes {stable_mosaic.version = 14 : i64} {
  func.func @_prop_kernel(%arg0: i32, %arg1: i32, %arg2: memref<2x10240x128xf32, #tpu.memory_space<hbm>>, %arg3: memref<1280x128xi32, #tpu.memory_space<hbm>>, %arg4: memref<1280x128xi32, #tpu.memory_space<hbm>>, %arg5: memref<2x10240x128xf32, #tpu.memory_space<hbm>>, %arg6: memref<40x128xi32, #tpu.memory_space<vmem>>, %arg7: memref<40x128xi32, #tpu.memory_space<vmem>>, %arg8: memref<128x128xf32, #tpu.memory_space<vmem>>, %arg9: memref<128x128xf32, #tpu.memory_space<vmem>>, %arg10: memref<10240x128xf32, #tpu.memory_space<vmem_shared>>, %arg11: memref<!tpu.dma_semaphore, #tpu.memory_space<semaphore_mem>>, %arg12: memref<!tpu.dma_semaphore, #tpu.memory_space<semaphore_mem>>) attributes {dimension_semantics = [#tpu.dimension_semantics<core_parallel>, #tpu.dimension_semantics<subcore_parallel>], iteration_bounds = array<i64: 2, 16>, scalar_prefetch = 0 : i64, scratch_operands = 7 : i64, tpu.core_type = #tpu.core_type<sc_vector_subcore>, window_params = [{transform_indices = #map}, {transform_indices = #map1}, {transform_indices = #map1}, {transform_indices = #map}]} {
    %mul3A = arith.constant 640 : i32
    %mul3A_0 = arith.muli %arg1, %mul3A : i32
    %mul3A_1 = arith.constant 640 : i32
    %mul3A_2 = arith.muli %arg1, %mul3A_1 : i32
    "tpu.region"() ({
      %run_scoped3A_103 = tpu.sem_alloc : memref<!tpu.dma_semaphore, #tpu.memory_space<semaphore_mem>>
      %dma_start3A_104 = arith.constant 0 : i32
      %dma_start3A_105 = tpu.memref_slice %arg10[%mul3A_2, %dma_start3A_104] : memref<10240x128xf32, #tpu.memory_space<vmem_shared>> -> memref<640x128xf32, #tpu.memory_space<vmem_shared>>
      %dma_start3A_106 = arith.constant 0 : i32
      %dma_start3A_107 = tpu.memref_slice %arg2[%arg0, %mul3A_0, %dma_start3A_106] : memref<2x10240x128xf32, #tpu.memory_space<hbm>> -> memref<1x640x128xf32, #tpu.memory_space<hbm>>
      %dma_start3A_108 = tpu.memref_squeeze %dma_start3A_107 : memref<1x640x128xf32, #tpu.memory_space<hbm>> -> memref<640x128xf32, #tpu.memory_space<hbm>>
      tpu.enqueue_dma source(%dma_start3A_108 : memref<640x128xf32, #tpu.memory_space<hbm>>) target(%dma_start3A_105 : memref<640x128xf32, #tpu.memory_space<vmem_shared>>) target_semaphore(%run_scoped3A_103 : memref<!tpu.dma_semaphore, #tpu.memory_space<semaphore_mem>>)
      %dma_wait3A_109 = arith.constant 0 : i32
      %dma_wait3A_110 = tpu.memref_slice %arg10[%mul3A_2, %dma_wait3A_109] : memref<10240x128xf32, #tpu.memory_space<vmem_shared>> -> memref<640x128xf32, #tpu.memory_space<vmem_shared>>
      %dma_wait3A_111 = arith.constant 0 : i32
      %dma_wait3A_112 = tpu.memref_slice %arg2[%arg0, %mul3A_0, %dma_wait3A_111] : memref<2x10240x128xf32, #tpu.memory_space<hbm>> -> memref<1x640x128xf32, #tpu.memory_space<hbm>>
      %dma_wait3A_113 = tpu.memref_squeeze %dma_wait3A_112 : memref<1x640x128xf32, #tpu.memory_space<hbm>> -> memref<640x128xf32, #tpu.memory_space<hbm>>
      tpu.wait_dma2 semaphore(%run_scoped3A_103 : memref<!tpu.dma_semaphore, #tpu.memory_space<semaphore_mem>>) src(%dma_wait3A_113 : memref<640x128xf32, #tpu.memory_space<hbm>>) dst(%dma_wait3A_110 : memref<640x128xf32, #tpu.memory_space<vmem_shared>>)
      tpu.yield
    }) : () -> ()
    %barrier3A = arith.constant 0 : index
    tpu.barrier barrier_id(%barrier3A)
    %mul3A_3 = arith.constant 80 : i32
    %mul3A_4 = arith.muli %arg1, %mul3A_3 : i32
    %add3A = arith.constant 0 : i32
    %add3A_5 = arith.addi %mul3A_4, %add3A : i32
    "tpu.region"() ({
      %run_scoped3A_103 = tpu.sem_alloc : memref<!tpu.dma_semaphore, #tpu.memory_space<semaphore_mem>>
      %dma_start3A_104 = arith.constant 0 : i32
      %dma_start3A_105 = tpu.memref_slice %arg3[%add3A_5, %dma_start3A_104] : memref<1280x128xi32, #tpu.memory_space<hbm>> -> memref<40x128xi32, #tpu.memory_space<hbm>>
      %dma_start3A_106 = arith.constant 0 : i32
      %dma_start3A_107 = tpu.memref_slice %arg3[%add3A_5, %dma_start3A_106] : memref<1280x128xi32, #tpu.memory_space<hbm>> -> memref<40x128xi32, #tpu.memory_space<hbm>>
      tpu.enqueue_dma source(%dma_start3A_107 : memref<40x128xi32, #tpu.memory_space<hbm>>) target(%arg6 : memref<40x128xi32, #tpu.memory_space<vmem>>) target_semaphore(%run_scoped3A_103 : memref<!tpu.dma_semaphore, #tpu.memory_space<semaphore_mem>>)
      %dma_wait3A_108 = arith.constant 0 : i32
      %dma_wait3A_109 = tpu.memref_slice %arg3[%add3A_5, %dma_wait3A_108] : memref<1280x128xi32, #tpu.memory_space<hbm>> -> memref<40x128xi32, #tpu.memory_space<hbm>>
      %dma_wait3A_110 = arith.constant 0 : i32
      %dma_wait3A_111 = tpu.memref_slice %arg3[%add3A_5, %dma_wait3A_110] : memref<1280x128xi32, #tpu.memory_space<hbm>> -> memref<40x128xi32, #tpu.memory_space<hbm>>
      tpu.wait_dma2 semaphore(%run_scoped3A_103 : memref<!tpu.dma_semaphore, #tpu.memory_space<semaphore_mem>>) src(%dma_wait3A_111 : memref<40x128xi32, #tpu.memory_space<hbm>>) dst(%arg6 : memref<40x128xi32, #tpu.memory_space<vmem>>)
      tpu.yield
    }) : () -> ()
    "tpu.region"() ({
      %run_scoped3A_103 = tpu.sem_alloc : memref<!tpu.dma_semaphore, #tpu.memory_space<semaphore_mem>>
      %dma_start3A_104 = arith.constant 0 : i32
      %dma_start3A_105 = tpu.memref_slice %arg4[%add3A_5, %dma_start3A_104] : memref<1280x128xi32, #tpu.memory_space<hbm>> -> memref<40x128xi32, #tpu.memory_space<hbm>>
      %dma_start3A_106 = arith.constant 0 : i32
      %dma_start3A_107 = tpu.memref_slice %arg4[%add3A_5, %dma_start3A_106] : memref<1280x128xi32, #tpu.memory_space<hbm>> -> memref<40x128xi32, #tpu.memory_space<hbm>>
      tpu.enqueue_dma source(%dma_start3A_107 : memref<40x128xi32, #tpu.memory_space<hbm>>) target(%arg7 : memref<40x128xi32, #tpu.memory_space<vmem>>) target_semaphore(%run_scoped3A_103 : memref<!tpu.dma_semaphore, #tpu.memory_space<semaphore_mem>>)
      %dma_wait3A_108 = arith.constant 0 : i32
      %dma_wait3A_109 = tpu.memref_slice %arg4[%add3A_5, %dma_wait3A_108] : memref<1280x128xi32, #tpu.memory_space<hbm>> -> memref<40x128xi32, #tpu.memory_space<hbm>>
      %dma_wait3A_110 = arith.constant 0 : i32
      %dma_wait3A_111 = tpu.memref_slice %arg4[%add3A_5, %dma_wait3A_110] : memref<1280x128xi32, #tpu.memory_space<hbm>> -> memref<40x128xi32, #tpu.memory_space<hbm>>
      tpu.wait_dma2 semaphore(%run_scoped3A_103 : memref<!tpu.dma_semaphore, #tpu.memory_space<semaphore_mem>>) src(%dma_wait3A_111 : memref<40x128xi32, #tpu.memory_space<hbm>>) dst(%arg7 : memref<40x128xi32, #tpu.memory_space<vmem>>)
      tpu.yield
    }) : () -> ()
    %dma_start3A = arith.constant 0 : i32
    %dma_start3A_6 = arith.constant 0 : i32
    %dma_start3A_7 = tpu.memref_slice %arg6[%dma_start3A, %dma_start3A_6] : memref<40x128xi32, #tpu.memory_space<vmem>> -> memref<1x128xi32, #tpu.memory_space<vmem>>
    %dma_start3A_8 = tpu.memref_squeeze %dma_start3A_7 : memref<1x128xi32, #tpu.memory_space<vmem>> -> memref<128xi32, #tpu.memory_space<vmem>>
    %dma_start3A_9 = arith.constant 0 : i32
    %dma_start3A_10 = arith.constant 0 : i32
    %dma_start3A_11 = tpu.memref_slice %arg2[%arg0, %dma_start3A_9, %dma_start3A_10] : memref<2x10240x128xf32, #tpu.memory_space<hbm>> -> memref<1x10240x128xf32, #tpu.memory_space<hbm>>
    %dma_start3A_12 = tpu.memref_squeeze %dma_start3A_11 : memref<1x10240x128xf32, #tpu.memory_space<hbm>> -> memref<10240x128xf32, #tpu.memory_space<hbm>>
    %dma_start3A_13 = arith.constant 0 : i32
    %dma_start3A_14 = arith.constant 0 : i32
    %dma_start3A_15 = tpu.memref_slice %dma_start3A_12[%dma_start3A_13, %dma_start3A_14] : memref<10240x128xf32, #tpu.memory_space<hbm>> -> memref<10240x128xf32, #tpu.memory_space<hbm>>
    tpu.enqueue_indirect_dma source(%dma_start3A_15 : memref<10240x128xf32, #tpu.memory_space<hbm>>) target(%arg8 : memref<128x128xf32, #tpu.memory_space<vmem>>) offsets(%dma_start3A_8 : memref<128xi32, #tpu.memory_space<vmem>>) semaphore(%arg11 : memref<!tpu.dma_semaphore, #tpu.memory_space<semaphore_mem>>)
    %dma_start3A_16 = arith.constant 1 : i32
    %dma_start3A_17 = arith.constant 0 : i32
    %dma_start3A_18 = tpu.memref_slice %arg6[%dma_start3A_16, %dma_start3A_17] : memref<40x128xi32, #tpu.memory_space<vmem>> -> memref<1x128xi32, #tpu.memory_space<vmem>>
    %dma_start3A_19 = tpu.memref_squeeze %dma_start3A_18 : memref<1x128xi32, #tpu.memory_space<vmem>> -> memref<128xi32, #tpu.memory_space<vmem>>
    %dma_start3A_20 = arith.constant 0 : i32
    %dma_start3A_21 = arith.constant 0 : i32
    %dma_start3A_22 = tpu.memref_slice %arg2[%arg0, %dma_start3A_20, %dma_start3A_21] : memref<2x10240x128xf32, #tpu.memory_space<hbm>> -> memref<1x10240x128xf32, #tpu.memory_space<hbm>>
    %dma_start3A_23 = tpu.memref_squeeze %dma_start3A_22 : memref<1x10240x128xf32, #tpu.memory_space<hbm>> -> memref<10240x128xf32, #tpu.memory_space<hbm>>
    %dma_start3A_24 = arith.constant 0 : i32
    %dma_start3A_25 = arith.constant 0 : i32
    %dma_start3A_26 = tpu.memref_slice %dma_start3A_23[%dma_start3A_24, %dma_start3A_25] : memref<10240x128xf32, #tpu.memory_space<hbm>> -> memref<10240x128xf32, #tpu.memory_space<hbm>>
    tpu.enqueue_indirect_dma source(%dma_start3A_26 : memref<10240x128xf32, #tpu.memory_space<hbm>>) target(%arg9 : memref<128x128xf32, #tpu.memory_space<vmem>>) offsets(%dma_start3A_19 : memref<128xi32, #tpu.memory_space<vmem>>) semaphore(%arg12 : memref<!tpu.dma_semaphore, #tpu.memory_space<semaphore_mem>>)
    %scan3A = arith.constant 0 : i32
    %scan3A_27 = arith.constant 0 : i32
    %scan3A_28 = arith.constant 19 : i32
    %scan3A_29 = arith.addi %scan3A_27, %scan3A_28 : i32
    %scan3A_30 = arith.constant 1 : i32
    scf.for %scan3A_103 = %scan3A_27 to %scan3A_29 step %scan3A_30  : i32 {
      %mul3A_104 = arith.constant 2 : i32
      %mul3A_105 = arith.muli %scan3A_103, %mul3A_104 : i32
      %dma_wait3A_106 = arith.constant 0 : i32
      %dma_wait3A_107 = arith.constant 0 : i32
      %dma_wait3A_108 = tpu.memref_slice %arg2[%arg0, %dma_wait3A_106, %dma_wait3A_107] : memref<2x10240x128xf32, #tpu.memory_space<hbm>> -> memref<1x128x128xf32, #tpu.memory_space<hbm>>
      %dma_wait3A_109 = tpu.memref_squeeze %dma_wait3A_108 : memref<1x128x128xf32, #tpu.memory_space<hbm>> -> memref<128x128xf32, #tpu.memory_space<hbm>>
      %dma_wait3A_110 = arith.constant 0 : i32
      %dma_wait3A_111 = arith.constant 0 : i32
      %dma_wait3A_112 = tpu.memref_slice %arg2[%arg0, %dma_wait3A_110, %dma_wait3A_111] : memref<2x10240x128xf32, #tpu.memory_space<hbm>> -> memref<1x128x128xf32, #tpu.memory_space<hbm>>
      %dma_wait3A_113 = tpu.memref_squeeze %dma_wait3A_112 : memref<1x128x128xf32, #tpu.memory_space<hbm>> -> memref<128x128xf32, #tpu.memory_space<hbm>>
      tpu.wait_dma2 semaphore(%arg11 : memref<!tpu.dma_semaphore, #tpu.memory_space<semaphore_mem>>) src(%dma_wait3A_113 : memref<128x128xf32, #tpu.memory_space<hbm>>) dst(%arg8 : memref<128x128xf32, #tpu.memory_space<vmem>>)
      %add3A_114 = arith.constant 0 : i32
      %add3A_115 = arith.addi %mul3A_105, %add3A_114 : i32
      "tpu.region"() ({
        %run_scoped3A_154 = tpu.sem_alloc : memref<!tpu.dma_semaphore, #tpu.memory_space<semaphore_mem>>
        %dma_start3A_155 = arith.constant 0 : i32
        %dma_start3A_156 = tpu.memref_slice %arg7[%add3A_115, %dma_start3A_155] : memref<40x128xi32, #tpu.memory_space<vmem>> -> memref<1x128xi32, #tpu.memory_space<vmem>>
        %dma_start3A_157 = tpu.memref_squeeze %dma_start3A_156 : memref<1x128xi32, #tpu.memory_space<vmem>> -> memref<128xi32, #tpu.memory_space<vmem>>
        %dma_start3A_158 = arith.constant 0 : i32
        %dma_start3A_159 = arith.constant 0 : i32
        %dma_start3A_160 = tpu.memref_slice %arg10[%dma_start3A_158, %dma_start3A_159] : memref<10240x128xf32, #tpu.memory_space<vmem_shared>> -> memref<10240x128xf32, #tpu.memory_space<vmem_shared>>
        tpu.enqueue_indirect_dma source(%arg8 : memref<128x128xf32, #tpu.memory_space<vmem>>) target(%dma_start3A_160 : memref<10240x128xf32, #tpu.memory_space<vmem_shared>>) offsets(%dma_start3A_157 : memref<128xi32, #tpu.memory_space<vmem>>) semaphore(%run_scoped3A_154 : memref<!tpu.dma_semaphore, #tpu.memory_space<semaphore_mem>>) {add = true}
        %dma_wait3A_161 = arith.constant 0 : i32
        %dma_wait3A_162 = tpu.memref_slice %arg7[%add3A_115, %dma_wait3A_161] : memref<40x128xi32, #tpu.memory_space<vmem>> -> memref<1x128xi32, #tpu.memory_space<vmem>>
        %dma_wait3A_163 = tpu.memref_squeeze %dma_wait3A_162 : memref<1x128xi32, #tpu.memory_space<vmem>> -> memref<128xi32, #tpu.memory_space<vmem>>
        %dma_wait3A_164 = arith.constant 0 : i32
        %dma_wait3A_165 = arith.constant 0 : i32
        %dma_wait3A_166 = tpu.memref_slice %arg10[%dma_wait3A_164, %dma_wait3A_165] : memref<10240x128xf32, #tpu.memory_space<vmem_shared>> -> memref<10240x128xf32, #tpu.memory_space<vmem_shared>>
        tpu.wait_indirect_dma semaphore(%run_scoped3A_154 : memref<!tpu.dma_semaphore, #tpu.memory_space<semaphore_mem>>) src(%arg8 : memref<128x128xf32, #tpu.memory_space<vmem>>) dst(%dma_wait3A_166 : memref<10240x128xf32, #tpu.memory_space<vmem_shared>>)
        tpu.yield
      }) : () -> ()
      %add3A_116 = arith.constant 0 : i32
      %add3A_117 = arith.addi %mul3A_105, %add3A_116 : i32
      %add3A_118 = arith.constant 2 : i32
      %add3A_119 = arith.addi %add3A_117, %add3A_118 : i32
      %dma_start3A_120 = arith.constant 0 : i32
      %dma_start3A_121 = tpu.memref_slice %arg6[%add3A_119, %dma_start3A_120] : memref<40x128xi32, #tpu.memory_space<vmem>> -> memref<1x128xi32, #tpu.memory_space<vmem>>
      %dma_start3A_122 = tpu.memref_squeeze %dma_start3A_121 : memref<1x128xi32, #tpu.memory_space<vmem>> -> memref<128xi32, #tpu.memory_space<vmem>>
      %dma_start3A_123 = arith.constant 0 : i32
      %dma_start3A_124 = arith.constant 0 : i32
      %dma_start3A_125 = tpu.memref_slice %arg2[%arg0, %dma_start3A_123, %dma_start3A_124] : memref<2x10240x128xf32, #tpu.memory_space<hbm>> -> memref<1x10240x128xf32, #tpu.memory_space<hbm>>
      %dma_start3A_126 = tpu.memref_squeeze %dma_start3A_125 : memref<1x10240x128xf32, #tpu.memory_space<hbm>> -> memref<10240x128xf32, #tpu.memory_space<hbm>>
      %dma_start3A_127 = arith.constant 0 : i32
      %dma_start3A_128 = arith.constant 0 : i32
      %dma_start3A_129 = tpu.memref_slice %dma_start3A_126[%dma_start3A_127, %dma_start3A_128] : memref<10240x128xf32, #tpu.memory_space<hbm>> -> memref<10240x128xf32, #tpu.memory_space<hbm>>
      tpu.enqueue_indirect_dma source(%dma_start3A_129 : memref<10240x128xf32, #tpu.memory_space<hbm>>) target(%arg8 : memref<128x128xf32, #tpu.memory_space<vmem>>) offsets(%dma_start3A_122 : memref<128xi32, #tpu.memory_space<vmem>>) semaphore(%arg11 : memref<!tpu.dma_semaphore, #tpu.memory_space<semaphore_mem>>)
      %dma_wait3A_130 = arith.constant 0 : i32
      %dma_wait3A_131 = arith.constant 0 : i32
      %dma_wait3A_132 = tpu.memref_slice %arg2[%arg0, %dma_wait3A_130, %dma_wait3A_131] : memref<2x10240x128xf32, #tpu.memory_space<hbm>> -> memref<1x128x128xf32, #tpu.memory_space<hbm>>
      %dma_wait3A_133 = tpu.memref_squeeze %dma_wait3A_132 : memref<1x128x128xf32, #tpu.memory_space<hbm>> -> memref<128x128xf32, #tpu.memory_space<hbm>>
      %dma_wait3A_134 = arith.constant 0 : i32
      %dma_wait3A_135 = arith.constant 0 : i32
      %dma_wait3A_136 = tpu.memref_slice %arg2[%arg0, %dma_wait3A_134, %dma_wait3A_135] : memref<2x10240x128xf32, #tpu.memory_space<hbm>> -> memref<1x128x128xf32, #tpu.memory_space<hbm>>
      %dma_wait3A_137 = tpu.memref_squeeze %dma_wait3A_136 : memref<1x128x128xf32, #tpu.memory_space<hbm>> -> memref<128x128xf32, #tpu.memory_space<hbm>>
      tpu.wait_dma2 semaphore(%arg12 : memref<!tpu.dma_semaphore, #tpu.memory_space<semaphore_mem>>) src(%dma_wait3A_137 : memref<128x128xf32, #tpu.memory_space<hbm>>) dst(%arg9 : memref<128x128xf32, #tpu.memory_space<vmem>>)
      %add3A_138 = arith.constant 1 : i32
      %add3A_139 = arith.addi %mul3A_105, %add3A_138 : i32
      "tpu.region"() ({
        %run_scoped3A_154 = tpu.sem_alloc : memref<!tpu.dma_semaphore, #tpu.memory_space<semaphore_mem>>
        %dma_start3A_155 = arith.constant 0 : i32
        %dma_start3A_156 = tpu.memref_slice %arg7[%add3A_139, %dma_start3A_155] : memref<40x128xi32, #tpu.memory_space<vmem>> -> memref<1x128xi32, #tpu.memory_space<vmem>>
        %dma_start3A_157 = tpu.memref_squeeze %dma_start3A_156 : memref<1x128xi32, #tpu.memory_space<vmem>> -> memref<128xi32, #tpu.memory_space<vmem>>
        %dma_start3A_158 = arith.constant 0 : i32
        %dma_start3A_159 = arith.constant 0 : i32
        %dma_start3A_160 = tpu.memref_slice %arg10[%dma_start3A_158, %dma_start3A_159] : memref<10240x128xf32, #tpu.memory_space<vmem_shared>> -> memref<10240x128xf32, #tpu.memory_space<vmem_shared>>
        tpu.enqueue_indirect_dma source(%arg9 : memref<128x128xf32, #tpu.memory_space<vmem>>) target(%dma_start3A_160 : memref<10240x128xf32, #tpu.memory_space<vmem_shared>>) offsets(%dma_start3A_157 : memref<128xi32, #tpu.memory_space<vmem>>) semaphore(%run_scoped3A_154 : memref<!tpu.dma_semaphore, #tpu.memory_space<semaphore_mem>>) {add = true}
        %dma_wait3A_161 = arith.constant 0 : i32
        %dma_wait3A_162 = tpu.memref_slice %arg7[%add3A_139, %dma_wait3A_161] : memref<40x128xi32, #tpu.memory_space<vmem>> -> memref<1x128xi32, #tpu.memory_space<vmem>>
        %dma_wait3A_163 = tpu.memref_squeeze %dma_wait3A_162 : memref<1x128xi32, #tpu.memory_space<vmem>> -> memref<128xi32, #tpu.memory_space<vmem>>
        %dma_wait3A_164 = arith.constant 0 : i32
        %dma_wait3A_165 = arith.constant 0 : i32
        %dma_wait3A_166 = tpu.memref_slice %arg10[%dma_wait3A_164, %dma_wait3A_165] : memref<10240x128xf32, #tpu.memory_space<vmem_shared>> -> memref<10240x128xf32, #tpu.memory_space<vmem_shared>>
        tpu.wait_indirect_dma semaphore(%run_scoped3A_154 : memref<!tpu.dma_semaphore, #tpu.memory_space<semaphore_mem>>) src(%arg9 : memref<128x128xf32, #tpu.memory_space<vmem>>) dst(%dma_wait3A_166 : memref<10240x128xf32, #tpu.memory_space<vmem_shared>>)
        tpu.yield
      }) : () -> ()
      %add3A_140 = arith.constant 1 : i32
      %add3A_141 = arith.addi %mul3A_105, %add3A_140 : i32
      %add3A_142 = arith.constant 2 : i32
      %add3A_143 = arith.addi %add3A_141, %add3A_142 : i32
      %dma_start3A_144 = arith.constant 0 : i32
      %dma_start3A_145 = tpu.memref_slice %arg6[%add3A_143, %dma_start3A_144] : memref<40x128xi32, #tpu.memory_space<vmem>> -> memref<1x128xi32, #tpu.memory_space<vmem>>
      %dma_start3A_146 = tpu.memref_squeeze %dma_start3A_145 : memref<1x128xi32, #tpu.memory_space<vmem>> -> memref<128xi32, #tpu.memory_space<vmem>>
      %dma_start3A_147 = arith.constant 0 : i32
      %dma_start3A_148 = arith.constant 0 : i32
      %dma_start3A_149 = tpu.memref_slice %arg2[%arg0, %dma_start3A_147, %dma_start3A_148] : memref<2x10240x128xf32, #tpu.memory_space<hbm>> -> memref<1x10240x128xf32, #tpu.memory_space<hbm>>
      %dma_start3A_150 = tpu.memref_squeeze %dma_start3A_149 : memref<1x10240x128xf32, #tpu.memory_space<hbm>> -> memref<10240x128xf32, #tpu.memory_space<hbm>>
      %dma_start3A_151 = arith.constant 0 : i32
      %dma_start3A_152 = arith.constant 0 : i32
      %dma_start3A_153 = tpu.memref_slice %dma_start3A_150[%dma_start3A_151, %dma_start3A_152] : memref<10240x128xf32, #tpu.memory_space<hbm>> -> memref<10240x128xf32, #tpu.memory_space<hbm>>
      tpu.enqueue_indirect_dma source(%dma_start3A_153 : memref<10240x128xf32, #tpu.memory_space<hbm>>) target(%arg9 : memref<128x128xf32, #tpu.memory_space<vmem>>) offsets(%dma_start3A_146 : memref<128xi32, #tpu.memory_space<vmem>>) semaphore(%arg12 : memref<!tpu.dma_semaphore, #tpu.memory_space<semaphore_mem>>)
    }
    %scan3A_31 = arith.constant 19 : i32
    %dma_wait3A = arith.constant 0 : i32
    %dma_wait3A_32 = arith.constant 0 : i32
    %dma_wait3A_33 = tpu.memref_slice %arg2[%arg0, %dma_wait3A, %dma_wait3A_32] : memref<2x10240x128xf32, #tpu.memory_space<hbm>> -> memref<1x128x128xf32, #tpu.memory_space<hbm>>
    %dma_wait3A_34 = tpu.memref_squeeze %dma_wait3A_33 : memref<1x128x128xf32, #tpu.memory_space<hbm>> -> memref<128x128xf32, #tpu.memory_space<hbm>>
    %dma_wait3A_35 = arith.constant 0 : i32
    %dma_wait3A_36 = arith.constant 0 : i32
    %dma_wait3A_37 = tpu.memref_slice %arg2[%arg0, %dma_wait3A_35, %dma_wait3A_36] : memref<2x10240x128xf32, #tpu.memory_space<hbm>> -> memref<1x128x128xf32, #tpu.memory_space<hbm>>
    %dma_wait3A_38 = tpu.memref_squeeze %dma_wait3A_37 : memref<1x128x128xf32, #tpu.memory_space<hbm>> -> memref<128x128xf32, #tpu.memory_space<hbm>>
    tpu.wait_dma2 semaphore(%arg11 : memref<!tpu.dma_semaphore, #tpu.memory_space<semaphore_mem>>) src(%dma_wait3A_38 : memref<128x128xf32, #tpu.memory_space<hbm>>) dst(%arg8 : memref<128x128xf32, #tpu.memory_space<vmem>>)
    %run_scoped3A = arith.constant 38 : i32
    "tpu.region"() ({
      %run_scoped3A_103 = tpu.sem_alloc : memref<!tpu.dma_semaphore, #tpu.memory_space<semaphore_mem>>
      %dma_start3A_104 = arith.constant 0 : i32
      %dma_start3A_105 = tpu.memref_slice %arg7[%run_scoped3A, %dma_start3A_104] : memref<40x128xi32, #tpu.memory_space<vmem>> -> memref<1x128xi32, #tpu.memory_space<vmem>>
      %dma_start3A_106 = tpu.memref_squeeze %dma_start3A_105 : memref<1x128xi32, #tpu.memory_space<vmem>> -> memref<128xi32, #tpu.memory_space<vmem>>
      %dma_start3A_107 = arith.constant 0 : i32
      %dma_start3A_108 = arith.constant 0 : i32
      %dma_start3A_109 = tpu.memref_slice %arg10[%dma_start3A_107, %dma_start3A_108] : memref<10240x128xf32, #tpu.memory_space<vmem_shared>> -> memref<10240x128xf32, #tpu.memory_space<vmem_shared>>
      tpu.enqueue_indirect_dma source(%arg8 : memref<128x128xf32, #tpu.memory_space<vmem>>) target(%dma_start3A_109 : memref<10240x128xf32, #tpu.memory_space<vmem_shared>>) offsets(%dma_start3A_106 : memref<128xi32, #tpu.memory_space<vmem>>) semaphore(%run_scoped3A_103 : memref<!tpu.dma_semaphore, #tpu.memory_space<semaphore_mem>>) {add = true}
      %dma_wait3A_110 = arith.constant 0 : i32
      %dma_wait3A_111 = tpu.memref_slice %arg7[%run_scoped3A, %dma_wait3A_110] : memref<40x128xi32, #tpu.memory_space<vmem>> -> memref<1x128xi32, #tpu.memory_space<vmem>>
      %dma_wait3A_112 = tpu.memref_squeeze %dma_wait3A_111 : memref<1x128xi32, #tpu.memory_space<vmem>> -> memref<128xi32, #tpu.memory_space<vmem>>
      %dma_wait3A_113 = arith.constant 0 : i32
      %dma_wait3A_114 = arith.constant 0 : i32
      %dma_wait3A_115 = tpu.memref_slice %arg10[%dma_wait3A_113, %dma_wait3A_114] : memref<10240x128xf32, #tpu.memory_space<vmem_shared>> -> memref<10240x128xf32, #tpu.memory_space<vmem_shared>>
      tpu.wait_indirect_dma semaphore(%run_scoped3A_103 : memref<!tpu.dma_semaphore, #tpu.memory_space<semaphore_mem>>) src(%arg8 : memref<128x128xf32, #tpu.memory_space<vmem>>) dst(%dma_wait3A_115 : memref<10240x128xf32, #tpu.memory_space<vmem_shared>>)
      tpu.yield
    }) : () -> ()
    %dma_wait3A_39 = arith.constant 0 : i32
    %dma_wait3A_40 = arith.constant 0 : i32
    %dma_wait3A_41 = tpu.memref_slice %arg2[%arg0, %dma_wait3A_39, %dma_wait3A_40] : memref<2x10240x128xf32, #tpu.memory_space<hbm>> -> memref<1x128x128xf32, #tpu.memory_space<hbm>>
    %dma_wait3A_42 = tpu.memref_squeeze %dma_wait3A_41 : memref<1x128x128xf32, #tpu.memory_space<hbm>> -> memref<128x128xf32, #tpu.memory_space<hbm>>
    %dma_wait3A_43 = arith.constant 0 : i32
    %dma_wait3A_44 = arith.constant 0 : i32
    %dma_wait3A_45 = tpu.memref_slice %arg2[%arg0, %dma_wait3A_43, %dma_wait3A_44] : memref<2x10240x128xf32, #tpu.memory_space<hbm>> -> memref<1x128x128xf32, #tpu.memory_space<hbm>>
    %dma_wait3A_46 = tpu.memref_squeeze %dma_wait3A_45 : memref<1x128x128xf32, #tpu.memory_space<hbm>> -> memref<128x128xf32, #tpu.memory_space<hbm>>
    tpu.wait_dma2 semaphore(%arg12 : memref<!tpu.dma_semaphore, #tpu.memory_space<semaphore_mem>>) src(%dma_wait3A_46 : memref<128x128xf32, #tpu.memory_space<hbm>>) dst(%arg9 : memref<128x128xf32, #tpu.memory_space<vmem>>)
    %run_scoped3A_47 = arith.constant 39 : i32
    "tpu.region"() ({
      %run_scoped3A_103 = tpu.sem_alloc : memref<!tpu.dma_semaphore, #tpu.memory_space<semaphore_mem>>
      %dma_start3A_104 = arith.constant 0 : i32
      %dma_start3A_105 = tpu.memref_slice %arg7[%run_scoped3A_47, %dma_start3A_104] : memref<40x128xi32, #tpu.memory_space<vmem>> -> memref<1x128xi32, #tpu.memory_space<vmem>>
      %dma_start3A_106 = tpu.memref_squeeze %dma_start3A_105 : memref<1x128xi32, #tpu.memory_space<vmem>> -> memref<128xi32, #tpu.memory_space<vmem>>
      %dma_start3A_107 = arith.constant 0 : i32
      %dma_start3A_108 = arith.constant 0 : i32
      %dma_start3A_109 = tpu.memref_slice %arg10[%dma_start3A_107, %dma_start3A_108] : memref<10240x128xf32, #tpu.memory_space<vmem_shared>> -> memref<10240x128xf32, #tpu.memory_space<vmem_shared>>
      tpu.enqueue_indirect_dma source(%arg9 : memref<128x128xf32, #tpu.memory_space<vmem>>) target(%dma_start3A_109 : memref<10240x128xf32, #tpu.memory_space<vmem_shared>>) offsets(%dma_start3A_106 : memref<128xi32, #tpu.memory_space<vmem>>) semaphore(%run_scoped3A_103 : memref<!tpu.dma_semaphore, #tpu.memory_space<semaphore_mem>>) {add = true}
      %dma_wait3A_110 = arith.constant 0 : i32
      %dma_wait3A_111 = tpu.memref_slice %arg7[%run_scoped3A_47, %dma_wait3A_110] : memref<40x128xi32, #tpu.memory_space<vmem>> -> memref<1x128xi32, #tpu.memory_space<vmem>>
      %dma_wait3A_112 = tpu.memref_squeeze %dma_wait3A_111 : memref<1x128xi32, #tpu.memory_space<vmem>> -> memref<128xi32, #tpu.memory_space<vmem>>
      %dma_wait3A_113 = arith.constant 0 : i32
      %dma_wait3A_114 = arith.constant 0 : i32
      %dma_wait3A_115 = tpu.memref_slice %arg10[%dma_wait3A_113, %dma_wait3A_114] : memref<10240x128xf32, #tpu.memory_space<vmem_shared>> -> memref<10240x128xf32, #tpu.memory_space<vmem_shared>>
      tpu.wait_indirect_dma semaphore(%run_scoped3A_103 : memref<!tpu.dma_semaphore, #tpu.memory_space<semaphore_mem>>) src(%arg9 : memref<128x128xf32, #tpu.memory_space<vmem>>) dst(%dma_wait3A_115 : memref<10240x128xf32, #tpu.memory_space<vmem_shared>>)
      tpu.yield
    }) : () -> ()
    %mul3A_48 = arith.constant 80 : i32
    %mul3A_49 = arith.muli %arg1, %mul3A_48 : i32
    %add3A_50 = arith.constant 40 : i32
    %add3A_51 = arith.addi %mul3A_49, %add3A_50 : i32
    "tpu.region"() ({
      %run_scoped3A_103 = tpu.sem_alloc : memref<!tpu.dma_semaphore, #tpu.memory_space<semaphore_mem>>
      %dma_start3A_104 = arith.constant 0 : i32
      %dma_start3A_105 = tpu.memref_slice %arg3[%add3A_51, %dma_start3A_104] : memref<1280x128xi32, #tpu.memory_space<hbm>> -> memref<40x128xi32, #tpu.memory_space<hbm>>
      %dma_start3A_106 = arith.constant 0 : i32
      %dma_start3A_107 = tpu.memref_slice %arg3[%add3A_51, %dma_start3A_106] : memref<1280x128xi32, #tpu.memory_space<hbm>> -> memref<40x128xi32, #tpu.memory_space<hbm>>
      tpu.enqueue_dma source(%dma_start3A_107 : memref<40x128xi32, #tpu.memory_space<hbm>>) target(%arg6 : memref<40x128xi32, #tpu.memory_space<vmem>>) target_semaphore(%run_scoped3A_103 : memref<!tpu.dma_semaphore, #tpu.memory_space<semaphore_mem>>)
      %dma_wait3A_108 = arith.constant 0 : i32
      %dma_wait3A_109 = tpu.memref_slice %arg3[%add3A_51, %dma_wait3A_108] : memref<1280x128xi32, #tpu.memory_space<hbm>> -> memref<40x128xi32, #tpu.memory_space<hbm>>
      %dma_wait3A_110 = arith.constant 0 : i32
      %dma_wait3A_111 = tpu.memref_slice %arg3[%add3A_51, %dma_wait3A_110] : memref<1280x128xi32, #tpu.memory_space<hbm>> -> memref<40x128xi32, #tpu.memory_space<hbm>>
      tpu.wait_dma2 semaphore(%run_scoped3A_103 : memref<!tpu.dma_semaphore, #tpu.memory_space<semaphore_mem>>) src(%dma_wait3A_111 : memref<40x128xi32, #tpu.memory_space<hbm>>) dst(%arg6 : memref<40x128xi32, #tpu.memory_space<vmem>>)
      tpu.yield
    }) : () -> ()
    "tpu.region"() ({
      %run_scoped3A_103 = tpu.sem_alloc : memref<!tpu.dma_semaphore, #tpu.memory_space<semaphore_mem>>
      %dma_start3A_104 = arith.constant 0 : i32
      %dma_start3A_105 = tpu.memref_slice %arg4[%add3A_51, %dma_start3A_104] : memref<1280x128xi32, #tpu.memory_space<hbm>> -> memref<40x128xi32, #tpu.memory_space<hbm>>
      %dma_start3A_106 = arith.constant 0 : i32
      %dma_start3A_107 = tpu.memref_slice %arg4[%add3A_51, %dma_start3A_106] : memref<1280x128xi32, #tpu.memory_space<hbm>> -> memref<40x128xi32, #tpu.memory_space<hbm>>
      tpu.enqueue_dma source(%dma_start3A_107 : memref<40x128xi32, #tpu.memory_space<hbm>>) target(%arg7 : memref<40x128xi32, #tpu.memory_space<vmem>>) target_semaphore(%run_scoped3A_103 : memref<!tpu.dma_semaphore, #tpu.memory_space<semaphore_mem>>)
      %dma_wait3A_108 = arith.constant 0 : i32
      %dma_wait3A_109 = tpu.memref_slice %arg4[%add3A_51, %dma_wait3A_108] : memref<1280x128xi32, #tpu.memory_space<hbm>> -> memref<40x128xi32, #tpu.memory_space<hbm>>
      %dma_wait3A_110 = arith.constant 0 : i32
      %dma_wait3A_111 = tpu.memref_slice %arg4[%add3A_51, %dma_wait3A_110] : memref<1280x128xi32, #tpu.memory_space<hbm>> -> memref<40x128xi32, #tpu.memory_space<hbm>>
      tpu.wait_dma2 semaphore(%run_scoped3A_103 : memref<!tpu.dma_semaphore, #tpu.memory_space<semaphore_mem>>) src(%dma_wait3A_111 : memref<40x128xi32, #tpu.memory_space<hbm>>) dst(%arg7 : memref<40x128xi32, #tpu.memory_space<vmem>>)
      tpu.yield
    }) : () -> ()
    %dma_start3A_52 = arith.constant 0 : i32
    %dma_start3A_53 = arith.constant 0 : i32
    %dma_start3A_54 = tpu.memref_slice %arg6[%dma_start3A_52, %dma_start3A_53] : memref<40x128xi32, #tpu.memory_space<vmem>> -> memref<1x128xi32, #tpu.memory_space<vmem>>
    %dma_start3A_55 = tpu.memref_squeeze %dma_start3A_54 : memref<1x128xi32, #tpu.memory_space<vmem>> -> memref<128xi32, #tpu.memory_space<vmem>>
    %dma_start3A_56 = arith.constant 0 : i32
    %dma_start3A_57 = arith.constant 0 : i32
    %dma_start3A_58 = tpu.memref_slice %arg2[%arg0, %dma_start3A_56, %dma_start3A_57] : memref<2x10240x128xf32, #tpu.memory_space<hbm>> -> memref<1x10240x128xf32, #tpu.memory_space<hbm>>
    %dma_start3A_59 = tpu.memref_squeeze %dma_start3A_58 : memref<1x10240x128xf32, #tpu.memory_space<hbm>> -> memref<10240x128xf32, #tpu.memory_space<hbm>>
    %dma_start3A_60 = arith.constant 0 : i32
    %dma_start3A_61 = arith.constant 0 : i32
    %dma_start3A_62 = tpu.memref_slice %dma_start3A_59[%dma_start3A_60, %dma_start3A_61] : memref<10240x128xf32, #tpu.memory_space<hbm>> -> memref<10240x128xf32, #tpu.memory_space<hbm>>
    tpu.enqueue_indirect_dma source(%dma_start3A_62 : memref<10240x128xf32, #tpu.memory_space<hbm>>) target(%arg8 : memref<128x128xf32, #tpu.memory_space<vmem>>) offsets(%dma_start3A_55 : memref<128xi32, #tpu.memory_space<vmem>>) semaphore(%arg11 : memref<!tpu.dma_semaphore, #tpu.memory_space<semaphore_mem>>)
    %dma_start3A_63 = arith.constant 1 : i32
    %dma_start3A_64 = arith.constant 0 : i32
    %dma_start3A_65 = tpu.memref_slice %arg6[%dma_start3A_63, %dma_start3A_64] : memref<40x128xi32, #tpu.memory_space<vmem>> -> memref<1x128xi32, #tpu.memory_space<vmem>>
    %dma_start3A_66 = tpu.memref_squeeze %dma_start3A_65 : memref<1x128xi32, #tpu.memory_space<vmem>> -> memref<128xi32, #tpu.memory_space<vmem>>
    %dma_start3A_67 = arith.constant 0 : i32
    %dma_start3A_68 = arith.constant 0 : i32
    %dma_start3A_69 = tpu.memref_slice %arg2[%arg0, %dma_start3A_67, %dma_start3A_68] : memref<2x10240x128xf32, #tpu.memory_space<hbm>> -> memref<1x10240x128xf32, #tpu.memory_space<hbm>>
    %dma_start3A_70 = tpu.memref_squeeze %dma_start3A_69 : memref<1x10240x128xf32, #tpu.memory_space<hbm>> -> memref<10240x128xf32, #tpu.memory_space<hbm>>
    %dma_start3A_71 = arith.constant 0 : i32
    %dma_start3A_72 = arith.constant 0 : i32
    %dma_start3A_73 = tpu.memref_slice %dma_start3A_70[%dma_start3A_71, %dma_start3A_72] : memref<10240x128xf32, #tpu.memory_space<hbm>> -> memref<10240x128xf32, #tpu.memory_space<hbm>>
    tpu.enqueue_indirect_dma source(%dma_start3A_73 : memref<10240x128xf32, #tpu.memory_space<hbm>>) target(%arg9 : memref<128x128xf32, #tpu.memory_space<vmem>>) offsets(%dma_start3A_66 : memref<128xi32, #tpu.memory_space<vmem>>) semaphore(%arg12 : memref<!tpu.dma_semaphore, #tpu.memory_space<semaphore_mem>>)
    %scan3A_74 = arith.constant 0 : i32
    %scan3A_75 = arith.constant 0 : i32
    %scan3A_76 = arith.constant 19 : i32
    %scan3A_77 = arith.addi %scan3A_75, %scan3A_76 : i32
    %scan3A_78 = arith.constant 1 : i32
    scf.for %scan3A_103 = %scan3A_75 to %scan3A_77 step %scan3A_78  : i32 {
      %mul3A_104 = arith.constant 2 : i32
      %mul3A_105 = arith.muli %scan3A_103, %mul3A_104 : i32
      %dma_wait3A_106 = arith.constant 0 : i32
      %dma_wait3A_107 = arith.constant 0 : i32
      %dma_wait3A_108 = tpu.memref_slice %arg2[%arg0, %dma_wait3A_106, %dma_wait3A_107] : memref<2x10240x128xf32, #tpu.memory_space<hbm>> -> memref<1x128x128xf32, #tpu.memory_space<hbm>>
      %dma_wait3A_109 = tpu.memref_squeeze %dma_wait3A_108 : memref<1x128x128xf32, #tpu.memory_space<hbm>> -> memref<128x128xf32, #tpu.memory_space<hbm>>
      %dma_wait3A_110 = arith.constant 0 : i32
      %dma_wait3A_111 = arith.constant 0 : i32
      %dma_wait3A_112 = tpu.memref_slice %arg2[%arg0, %dma_wait3A_110, %dma_wait3A_111] : memref<2x10240x128xf32, #tpu.memory_space<hbm>> -> memref<1x128x128xf32, #tpu.memory_space<hbm>>
      %dma_wait3A_113 = tpu.memref_squeeze %dma_wait3A_112 : memref<1x128x128xf32, #tpu.memory_space<hbm>> -> memref<128x128xf32, #tpu.memory_space<hbm>>
      tpu.wait_dma2 semaphore(%arg11 : memref<!tpu.dma_semaphore, #tpu.memory_space<semaphore_mem>>) src(%dma_wait3A_113 : memref<128x128xf32, #tpu.memory_space<hbm>>) dst(%arg8 : memref<128x128xf32, #tpu.memory_space<vmem>>)
      %add3A_114 = arith.constant 0 : i32
      %add3A_115 = arith.addi %mul3A_105, %add3A_114 : i32
      "tpu.region"() ({
        %run_scoped3A_154 = tpu.sem_alloc : memref<!tpu.dma_semaphore, #tpu.memory_space<semaphore_mem>>
        %dma_start3A_155 = arith.constant 0 : i32
        %dma_start3A_156 = tpu.memref_slice %arg7[%add3A_115, %dma_start3A_155] : memref<40x128xi32, #tpu.memory_space<vmem>> -> memref<1x128xi32, #tpu.memory_space<vmem>>
        %dma_start3A_157 = tpu.memref_squeeze %dma_start3A_156 : memref<1x128xi32, #tpu.memory_space<vmem>> -> memref<128xi32, #tpu.memory_space<vmem>>
        %dma_start3A_158 = arith.constant 0 : i32
        %dma_start3A_159 = arith.constant 0 : i32
        %dma_start3A_160 = tpu.memref_slice %arg10[%dma_start3A_158, %dma_start3A_159] : memref<10240x128xf32, #tpu.memory_space<vmem_shared>> -> memref<10240x128xf32, #tpu.memory_space<vmem_shared>>
        tpu.enqueue_indirect_dma source(%arg8 : memref<128x128xf32, #tpu.memory_space<vmem>>) target(%dma_start3A_160 : memref<10240x128xf32, #tpu.memory_space<vmem_shared>>) offsets(%dma_start3A_157 : memref<128xi32, #tpu.memory_space<vmem>>) semaphore(%run_scoped3A_154 : memref<!tpu.dma_semaphore, #tpu.memory_space<semaphore_mem>>) {add = true}
        %dma_wait3A_161 = arith.constant 0 : i32
        %dma_wait3A_162 = tpu.memref_slice %arg7[%add3A_115, %dma_wait3A_161] : memref<40x128xi32, #tpu.memory_space<vmem>> -> memref<1x128xi32, #tpu.memory_space<vmem>>
        %dma_wait3A_163 = tpu.memref_squeeze %dma_wait3A_162 : memref<1x128xi32, #tpu.memory_space<vmem>> -> memref<128xi32, #tpu.memory_space<vmem>>
        %dma_wait3A_164 = arith.constant 0 : i32
        %dma_wait3A_165 = arith.constant 0 : i32
        %dma_wait3A_166 = tpu.memref_slice %arg10[%dma_wait3A_164, %dma_wait3A_165] : memref<10240x128xf32, #tpu.memory_space<vmem_shared>> -> memref<10240x128xf32, #tpu.memory_space<vmem_shared>>
        tpu.wait_indirect_dma semaphore(%run_scoped3A_154 : memref<!tpu.dma_semaphore, #tpu.memory_space<semaphore_mem>>) src(%arg8 : memref<128x128xf32, #tpu.memory_space<vmem>>) dst(%dma_wait3A_166 : memref<10240x128xf32, #tpu.memory_space<vmem_shared>>)
        tpu.yield
      }) : () -> ()
      %add3A_116 = arith.constant 0 : i32
      %add3A_117 = arith.addi %mul3A_105, %add3A_116 : i32
      %add3A_118 = arith.constant 2 : i32
      %add3A_119 = arith.addi %add3A_117, %add3A_118 : i32
      %dma_start3A_120 = arith.constant 0 : i32
      %dma_start3A_121 = tpu.memref_slice %arg6[%add3A_119, %dma_start3A_120] : memref<40x128xi32, #tpu.memory_space<vmem>> -> memref<1x128xi32, #tpu.memory_space<vmem>>
      %dma_start3A_122 = tpu.memref_squeeze %dma_start3A_121 : memref<1x128xi32, #tpu.memory_space<vmem>> -> memref<128xi32, #tpu.memory_space<vmem>>
      %dma_start3A_123 = arith.constant 0 : i32
      %dma_start3A_124 = arith.constant 0 : i32
      %dma_start3A_125 = tpu.memref_slice %arg2[%arg0, %dma_start3A_123, %dma_start3A_124] : memref<2x10240x128xf32, #tpu.memory_space<hbm>> -> memref<1x10240x128xf32, #tpu.memory_space<hbm>>
      %dma_start3A_126 = tpu.memref_squeeze %dma_start3A_125 : memref<1x10240x128xf32, #tpu.memory_space<hbm>> -> memref<10240x128xf32, #tpu.memory_space<hbm>>
      %dma_start3A_127 = arith.constant 0 : i32
      %dma_start3A_128 = arith.constant 0 : i32
      %dma_start3A_129 = tpu.memref_slice %dma_start3A_126[%dma_start3A_127, %dma_start3A_128] : memref<10240x128xf32, #tpu.memory_space<hbm>> -> memref<10240x128xf32, #tpu.memory_space<hbm>>
      tpu.enqueue_indirect_dma source(%dma_start3A_129 : memref<10240x128xf32, #tpu.memory_space<hbm>>) target(%arg8 : memref<128x128xf32, #tpu.memory_space<vmem>>) offsets(%dma_start3A_122 : memref<128xi32, #tpu.memory_space<vmem>>) semaphore(%arg11 : memref<!tpu.dma_semaphore, #tpu.memory_space<semaphore_mem>>)
      %dma_wait3A_130 = arith.constant 0 : i32
      %dma_wait3A_131 = arith.constant 0 : i32
      %dma_wait3A_132 = tpu.memref_slice %arg2[%arg0, %dma_wait3A_130, %dma_wait3A_131] : memref<2x10240x128xf32, #tpu.memory_space<hbm>> -> memref<1x128x128xf32, #tpu.memory_space<hbm>>
      %dma_wait3A_133 = tpu.memref_squeeze %dma_wait3A_132 : memref<1x128x128xf32, #tpu.memory_space<hbm>> -> memref<128x128xf32, #tpu.memory_space<hbm>>
      %dma_wait3A_134 = arith.constant 0 : i32
      %dma_wait3A_135 = arith.constant 0 : i32
      %dma_wait3A_136 = tpu.memref_slice %arg2[%arg0, %dma_wait3A_134, %dma_wait3A_135] : memref<2x10240x128xf32, #tpu.memory_space<hbm>> -> memref<1x128x128xf32, #tpu.memory_space<hbm>>
      %dma_wait3A_137 = tpu.memref_squeeze %dma_wait3A_136 : memref<1x128x128xf32, #tpu.memory_space<hbm>> -> memref<128x128xf32, #tpu.memory_space<hbm>>
      tpu.wait_dma2 semaphore(%arg12 : memref<!tpu.dma_semaphore, #tpu.memory_space<semaphore_mem>>) src(%dma_wait3A_137 : memref<128x128xf32, #tpu.memory_space<hbm>>) dst(%arg9 : memref<128x128xf32, #tpu.memory_space<vmem>>)
      %add3A_138 = arith.constant 1 : i32
      %add3A_139 = arith.addi %mul3A_105, %add3A_138 : i32
      "tpu.region"() ({
        %run_scoped3A_154 = tpu.sem_alloc : memref<!tpu.dma_semaphore, #tpu.memory_space<semaphore_mem>>
        %dma_start3A_155 = arith.constant 0 : i32
        %dma_start3A_156 = tpu.memref_slice %arg7[%add3A_139, %dma_start3A_155] : memref<40x128xi32, #tpu.memory_space<vmem>> -> memref<1x128xi32, #tpu.memory_space<vmem>>
        %dma_start3A_157 = tpu.memref_squeeze %dma_start3A_156 : memref<1x128xi32, #tpu.memory_space<vmem>> -> memref<128xi32, #tpu.memory_space<vmem>>
        %dma_start3A_158 = arith.constant 0 : i32
        %dma_start3A_159 = arith.constant 0 : i32
        %dma_start3A_160 = tpu.memref_slice %arg10[%dma_start3A_158, %dma_start3A_159] : memref<10240x128xf32, #tpu.memory_space<vmem_shared>> -> memref<10240x128xf32, #tpu.memory_space<vmem_shared>>
        tpu.enqueue_indirect_dma source(%arg9 : memref<128x128xf32, #tpu.memory_space<vmem>>) target(%dma_start3A_160 : memref<10240x128xf32, #tpu.memory_space<vmem_shared>>) offsets(%dma_start3A_157 : memref<128xi32, #tpu.memory_space<vmem>>) semaphore(%run_scoped3A_154 : memref<!tpu.dma_semaphore, #tpu.memory_space<semaphore_mem>>) {add = true}
        %dma_wait3A_161 = arith.constant 0 : i32
        %dma_wait3A_162 = tpu.memref_slice %arg7[%add3A_139, %dma_wait3A_161] : memref<40x128xi32, #tpu.memory_space<vmem>> -> memref<1x128xi32, #tpu.memory_space<vmem>>
        %dma_wait3A_163 = tpu.memref_squeeze %dma_wait3A_162 : memref<1x128xi32, #tpu.memory_space<vmem>> -> memref<128xi32, #tpu.memory_space<vmem>>
        %dma_wait3A_164 = arith.constant 0 : i32
        %dma_wait3A_165 = arith.constant 0 : i32
        %dma_wait3A_166 = tpu.memref_slice %arg10[%dma_wait3A_164, %dma_wait3A_165] : memref<10240x128xf32, #tpu.memory_space<vmem_shared>> -> memref<10240x128xf32, #tpu.memory_space<vmem_shared>>
        tpu.wait_indirect_dma semaphore(%run_scoped3A_154 : memref<!tpu.dma_semaphore, #tpu.memory_space<semaphore_mem>>) src(%arg9 : memref<128x128xf32, #tpu.memory_space<vmem>>) dst(%dma_wait3A_166 : memref<10240x128xf32, #tpu.memory_space<vmem_shared>>)
        tpu.yield
      }) : () -> ()
      %add3A_140 = arith.constant 1 : i32
      %add3A_141 = arith.addi %mul3A_105, %add3A_140 : i32
      %add3A_142 = arith.constant 2 : i32
      %add3A_143 = arith.addi %add3A_141, %add3A_142 : i32
      %dma_start3A_144 = arith.constant 0 : i32
      %dma_start3A_145 = tpu.memref_slice %arg6[%add3A_143, %dma_start3A_144] : memref<40x128xi32, #tpu.memory_space<vmem>> -> memref<1x128xi32, #tpu.memory_space<vmem>>
      %dma_start3A_146 = tpu.memref_squeeze %dma_start3A_145 : memref<1x128xi32, #tpu.memory_space<vmem>> -> memref<128xi32, #tpu.memory_space<vmem>>
      %dma_start3A_147 = arith.constant 0 : i32
      %dma_start3A_148 = arith.constant 0 : i32
      %dma_start3A_149 = tpu.memref_slice %arg2[%arg0, %dma_start3A_147, %dma_start3A_148] : memref<2x10240x128xf32, #tpu.memory_space<hbm>> -> memref<1x10240x128xf32, #tpu.memory_space<hbm>>
      %dma_start3A_150 = tpu.memref_squeeze %dma_start3A_149 : memref<1x10240x128xf32, #tpu.memory_space<hbm>> -> memref<10240x128xf32, #tpu.memory_space<hbm>>
      %dma_start3A_151 = arith.constant 0 : i32
      %dma_start3A_152 = arith.constant 0 : i32
      %dma_start3A_153 = tpu.memref_slice %dma_start3A_150[%dma_start3A_151, %dma_start3A_152] : memref<10240x128xf32, #tpu.memory_space<hbm>> -> memref<10240x128xf32, #tpu.memory_space<hbm>>
      tpu.enqueue_indirect_dma source(%dma_start3A_153 : memref<10240x128xf32, #tpu.memory_space<hbm>>) target(%arg9 : memref<128x128xf32, #tpu.memory_space<vmem>>) offsets(%dma_start3A_146 : memref<128xi32, #tpu.memory_space<vmem>>) semaphore(%arg12 : memref<!tpu.dma_semaphore, #tpu.memory_space<semaphore_mem>>)
    }
    %scan3A_79 = arith.constant 19 : i32
    %dma_wait3A_80 = arith.constant 0 : i32
    %dma_wait3A_81 = arith.constant 0 : i32
    %dma_wait3A_82 = tpu.memref_slice %arg2[%arg0, %dma_wait3A_80, %dma_wait3A_81] : memref<2x10240x128xf32, #tpu.memory_space<hbm>> -> memref<1x128x128xf32, #tpu.memory_space<hbm>>
    %dma_wait3A_83 = tpu.memref_squeeze %dma_wait3A_82 : memref<1x128x128xf32, #tpu.memory_space<hbm>> -> memref<128x128xf32, #tpu.memory_space<hbm>>
    %dma_wait3A_84 = arith.constant 0 : i32
    %dma_wait3A_85 = arith.constant 0 : i32
    %dma_wait3A_86 = tpu.memref_slice %arg2[%arg0, %dma_wait3A_84, %dma_wait3A_85] : memref<2x10240x128xf32, #tpu.memory_space<hbm>> -> memref<1x128x128xf32, #tpu.memory_space<hbm>>
    %dma_wait3A_87 = tpu.memref_squeeze %dma_wait3A_86 : memref<1x128x128xf32, #tpu.memory_space<hbm>> -> memref<128x128xf32, #tpu.memory_space<hbm>>
    tpu.wait_dma2 semaphore(%arg11 : memref<!tpu.dma_semaphore, #tpu.memory_space<semaphore_mem>>) src(%dma_wait3A_87 : memref<128x128xf32, #tpu.memory_space<hbm>>) dst(%arg8 : memref<128x128xf32, #tpu.memory_space<vmem>>)
    %run_scoped3A_88 = arith.constant 38 : i32
    "tpu.region"() ({
      %run_scoped3A_103 = tpu.sem_alloc : memref<!tpu.dma_semaphore, #tpu.memory_space<semaphore_mem>>
      %dma_start3A_104 = arith.constant 0 : i32
      %dma_start3A_105 = tpu.memref_slice %arg7[%run_scoped3A_88, %dma_start3A_104] : memref<40x128xi32, #tpu.memory_space<vmem>> -> memref<1x128xi32, #tpu.memory_space<vmem>>
      %dma_start3A_106 = tpu.memref_squeeze %dma_start3A_105 : memref<1x128xi32, #tpu.memory_space<vmem>> -> memref<128xi32, #tpu.memory_space<vmem>>
      %dma_start3A_107 = arith.constant 0 : i32
      %dma_start3A_108 = arith.constant 0 : i32
      %dma_start3A_109 = tpu.memref_slice %arg10[%dma_start3A_107, %dma_start3A_108] : memref<10240x128xf32, #tpu.memory_space<vmem_shared>> -> memref<10240x128xf32, #tpu.memory_space<vmem_shared>>
      tpu.enqueue_indirect_dma source(%arg8 : memref<128x128xf32, #tpu.memory_space<vmem>>) target(%dma_start3A_109 : memref<10240x128xf32, #tpu.memory_space<vmem_shared>>) offsets(%dma_start3A_106 : memref<128xi32, #tpu.memory_space<vmem>>) semaphore(%run_scoped3A_103 : memref<!tpu.dma_semaphore, #tpu.memory_space<semaphore_mem>>) {add = true}
      %dma_wait3A_110 = arith.constant 0 : i32
      %dma_wait3A_111 = tpu.memref_slice %arg7[%run_scoped3A_88, %dma_wait3A_110] : memref<40x128xi32, #tpu.memory_space<vmem>> -> memref<1x128xi32, #tpu.memory_space<vmem>>
      %dma_wait3A_112 = tpu.memref_squeeze %dma_wait3A_111 : memref<1x128xi32, #tpu.memory_space<vmem>> -> memref<128xi32, #tpu.memory_space<vmem>>
      %dma_wait3A_113 = arith.constant 0 : i32
      %dma_wait3A_114 = arith.constant 0 : i32
      %dma_wait3A_115 = tpu.memref_slice %arg10[%dma_wait3A_113, %dma_wait3A_114] : memref<10240x128xf32, #tpu.memory_space<vmem_shared>> -> memref<10240x128xf32, #tpu.memory_space<vmem_shared>>
      tpu.wait_indirect_dma semaphore(%run_scoped3A_103 : memref<!tpu.dma_semaphore, #tpu.memory_space<semaphore_mem>>) src(%arg8 : memref<128x128xf32, #tpu.memory_space<vmem>>) dst(%dma_wait3A_115 : memref<10240x128xf32, #tpu.memory_space<vmem_shared>>)
      tpu.yield
    }) : () -> ()
    %dma_wait3A_89 = arith.constant 0 : i32
    %dma_wait3A_90 = arith.constant 0 : i32
    %dma_wait3A_91 = tpu.memref_slice %arg2[%arg0, %dma_wait3A_89, %dma_wait3A_90] : memref<2x10240x128xf32, #tpu.memory_space<hbm>> -> memref<1x128x128xf32, #tpu.memory_space<hbm>>
    %dma_wait3A_92 = tpu.memref_squeeze %dma_wait3A_91 : memref<1x128x128xf32, #tpu.memory_space<hbm>> -> memref<128x128xf32, #tpu.memory_space<hbm>>
    %dma_wait3A_93 = arith.constant 0 : i32
    %dma_wait3A_94 = arith.constant 0 : i32
    %dma_wait3A_95 = tpu.memref_slice %arg2[%arg0, %dma_wait3A_93, %dma_wait3A_94] : memref<2x10240x128xf32, #tpu.memory_space<hbm>> -> memref<1x128x128xf32, #tpu.memory_space<hbm>>
    %dma_wait3A_96 = tpu.memref_squeeze %dma_wait3A_95 : memref<1x128x128xf32, #tpu.memory_space<hbm>> -> memref<128x128xf32, #tpu.memory_space<hbm>>
    tpu.wait_dma2 semaphore(%arg12 : memref<!tpu.dma_semaphore, #tpu.memory_space<semaphore_mem>>) src(%dma_wait3A_96 : memref<128x128xf32, #tpu.memory_space<hbm>>) dst(%arg9 : memref<128x128xf32, #tpu.memory_space<vmem>>)
    %run_scoped3A_97 = arith.constant 39 : i32
    "tpu.region"() ({
      %run_scoped3A_103 = tpu.sem_alloc : memref<!tpu.dma_semaphore, #tpu.memory_space<semaphore_mem>>
      %dma_start3A_104 = arith.constant 0 : i32
      %dma_start3A_105 = tpu.memref_slice %arg7[%run_scoped3A_97, %dma_start3A_104] : memref<40x128xi32, #tpu.memory_space<vmem>> -> memref<1x128xi32, #tpu.memory_space<vmem>>
      %dma_start3A_106 = tpu.memref_squeeze %dma_start3A_105 : memref<1x128xi32, #tpu.memory_space<vmem>> -> memref<128xi32, #tpu.memory_space<vmem>>
      %dma_start3A_107 = arith.constant 0 : i32
      %dma_start3A_108 = arith.constant 0 : i32
      %dma_start3A_109 = tpu.memref_slice %arg10[%dma_start3A_107, %dma_start3A_108] : memref<10240x128xf32, #tpu.memory_space<vmem_shared>> -> memref<10240x128xf32, #tpu.memory_space<vmem_shared>>
      tpu.enqueue_indirect_dma source(%arg9 : memref<128x128xf32, #tpu.memory_space<vmem>>) target(%dma_start3A_109 : memref<10240x128xf32, #tpu.memory_space<vmem_shared>>) offsets(%dma_start3A_106 : memref<128xi32, #tpu.memory_space<vmem>>) semaphore(%run_scoped3A_103 : memref<!tpu.dma_semaphore, #tpu.memory_space<semaphore_mem>>) {add = true}
      %dma_wait3A_110 = arith.constant 0 : i32
      %dma_wait3A_111 = tpu.memref_slice %arg7[%run_scoped3A_97, %dma_wait3A_110] : memref<40x128xi32, #tpu.memory_space<vmem>> -> memref<1x128xi32, #tpu.memory_space<vmem>>
      %dma_wait3A_112 = tpu.memref_squeeze %dma_wait3A_111 : memref<1x128xi32, #tpu.memory_space<vmem>> -> memref<128xi32, #tpu.memory_space<vmem>>
      %dma_wait3A_113 = arith.constant 0 : i32
      %dma_wait3A_114 = arith.constant 0 : i32
      %dma_wait3A_115 = tpu.memref_slice %arg10[%dma_wait3A_113, %dma_wait3A_114] : memref<10240x128xf32, #tpu.memory_space<vmem_shared>> -> memref<10240x128xf32, #tpu.memory_space<vmem_shared>>
      tpu.wait_indirect_dma semaphore(%run_scoped3A_103 : memref<!tpu.dma_semaphore, #tpu.memory_space<semaphore_mem>>) src(%arg9 : memref<128x128xf32, #tpu.memory_space<vmem>>) dst(%dma_wait3A_115 : memref<10240x128xf32, #tpu.memory_space<vmem_shared>>)
      tpu.yield
    }) : () -> ()
    %barrier3A_98 = arith.constant 0 : index
    tpu.barrier barrier_id(%barrier3A_98)
    %mul3A_99 = arith.constant 640 : i32
    %mul3A_100 = arith.muli %arg1, %mul3A_99 : i32
    %mul3A_101 = arith.constant 640 : i32
    %mul3A_102 = arith.muli %arg1, %mul3A_101 : i32
    "tpu.region"() ({
      %run_scoped3A_103 = tpu.sem_alloc : memref<!tpu.dma_semaphore, #tpu.memory_space<semaphore_mem>>
      %dma_start3A_104 = arith.constant 0 : i32
      %dma_start3A_105 = tpu.memref_slice %arg5[%arg0, %mul3A_102, %dma_start3A_104] : memref<2x10240x128xf32, #tpu.memory_space<hbm>> -> memref<1x640x128xf32, #tpu.memory_space<hbm>>
      %dma_start3A_106 = tpu.memref_squeeze %dma_start3A_105 : memref<1x640x128xf32, #tpu.memory_space<hbm>> -> memref<640x128xf32, #tpu.memory_space<hbm>>
      %dma_start3A_107 = arith.constant 0 : i32
      %dma_start3A_108 = tpu.memref_slice %arg10[%mul3A_100, %dma_start3A_107] : memref<10240x128xf32, #tpu.memory_space<vmem_shared>> -> memref<640x128xf32, #tpu.memory_space<vmem_shared>>
      tpu.enqueue_dma source(%dma_start3A_108 : memref<640x128xf32, #tpu.memory_space<vmem_shared>>) target(%dma_start3A_106 : memref<640x128xf32, #tpu.memory_space<hbm>>) target_semaphore(%run_scoped3A_103 : memref<!tpu.dma_semaphore, #tpu.memory_space<semaphore_mem>>)
      %dma_wait3A_109 = arith.constant 0 : i32
      %dma_wait3A_110 = tpu.memref_slice %arg5[%arg0, %mul3A_102, %dma_wait3A_109] : memref<2x10240x128xf32, #tpu.memory_space<hbm>> -> memref<1x640x128xf32, #tpu.memory_space<hbm>>
      %dma_wait3A_111 = tpu.memref_squeeze %dma_wait3A_110 : memref<1x640x128xf32, #tpu.memory_space<hbm>> -> memref<640x128xf32, #tpu.memory_space<hbm>>
      %dma_wait3A_112 = arith.constant 0 : i32
      %dma_wait3A_113 = tpu.memref_slice %arg10[%mul3A_100, %dma_wait3A_112] : memref<10240x128xf32, #tpu.memory_space<vmem_shared>> -> memref<640x128xf32, #tpu.memory_space<vmem_shared>>
      tpu.wait_dma2 semaphore(%run_scoped3A_103 : memref<!tpu.dma_semaphore, #tpu.memory_space<semaphore_mem>>) src(%dma_wait3A_113 : memref<640x128xf32, #tpu.memory_space<vmem_shared>>) dst(%dma_wait3A_111 : memref<640x128xf32, #tpu.memory_space<hbm>>)
      tpu.yield
    }) : () -> ()
    return
  }
}

module attributes {stable_mosaic.version = 14 : i64} {
  func.func @_prep_body(%arg0: i32, %arg1: memref<2x2000x128xf32, #tpu.memory_space<vmem>>, %arg2: memref<2000x256xf32, #tpu.memory_space<vmem>>, %arg3: memref<2x2000x128xf32, #tpu.memory_space<vmem>>) attributes {dimension_semantics = [#tpu.dimension_semantics<arbitrary>], iteration_bounds = array<i64: 5>, scalar_prefetch = 0 : i64, scratch_operands = 0 : i64, tpu.core_type = #tpu.core_type<tc>, window_params = [{transform_indices = @transform_0, window_bounds = array<i64: 2, 2000, 128>}, {transform_indices = @transform_1, window_bounds = array<i64: 2000, 256>}, {transform_indices = @transform_2, window_bounds = array<i64: 2, 2000, 128>}]} {
    %get3A = arith.constant 0 : index
    %get3A_0 = arith.constant 0 : index
    %get3A_1 = arith.constant 0 : index
    %get3A_2 = vector.load %arg1[%get3A, %get3A_0, %get3A_1] : memref<2x2000x128xf32, #tpu.memory_space<vmem>>, vector<2x2000x128xf32>
    %slice3A = vector.extract_strided_slice %get3A_2 {offsets = [0, 0, 0], sizes = [1, 2000, 1], strides = [1, 1, 1]} : vector<2x2000x128xf32> to vector<1x2000x1xf32>
    %squeeze3A = vector.shape_cast %slice3A : vector<1x2000x1xf32> to vector<2000xf32>
    %add3A = arith.constant 1.000000e+00 : f32
    %add3A_3 = vector.broadcast %add3A : f32 to vector<2000xf32>
    %add3A_4 = arith.addf %add3A_3, %squeeze3A : vector<2000xf32>
    %slice3A_5 = vector.extract_strided_slice %get3A_2 {offsets = [1, 0, 0], sizes = [1, 2000, 1], strides = [1, 1, 1]} : vector<2x2000x128xf32> to vector<1x2000x1xf32>
    %squeeze3A_6 = vector.shape_cast %slice3A_5 : vector<1x2000x1xf32> to vector<2000xf32>
    %add3A_7 = arith.addf %add3A_4, %squeeze3A_6 : vector<2000xf32>
    %rsqrt3A = math.rsqrt %add3A_7 : vector<2000xf32>
    %get3A_8 = arith.constant 0 : index
    %get3A_9 = arith.constant 0 : index
    %get3A_10 = vector.load %arg2[%get3A_8, %get3A_9] : memref<2000x256xf32, #tpu.memory_space<vmem>>, vector<2000x256xf32>
    %broadcast_in_dim3A = vector.shape_cast %rsqrt3A : vector<2000xf32> to vector<2000x1xf32>
    %mul3A = vector.broadcast %broadcast_in_dim3A : vector<2000x1xf32> to vector<2000x256xf32>
    %mul3A_11 = arith.mulf %get3A_10, %mul3A : vector<2000x256xf32>
    %slice3A_12 = vector.extract_strided_slice %mul3A_11 {offsets = [0, 0], sizes = [2000, 128], strides = [1, 1]} : vector<2000x256xf32> to vector<2000x128xf32>
    %swap3A = arith.constant 0 : index
    %swap3A_13 = arith.constant 0 : index
    %swap3A_14 = arith.constant 0 : index
    %swap3A_15 = vector.load %arg3[%swap3A, %swap3A_13, %swap3A_14] : memref<2x2000x128xf32, #tpu.memory_space<vmem>>, vector<1x2000x128xf32>
    %swap3A_16 = vector.shape_cast %swap3A_15 : vector<1x2000x128xf32> to vector<2000x128xf32>
    %swap3A_17 = vector.shape_cast %slice3A_12 : vector<2000x128xf32> to vector<1x2000x128xf32>
    tpu.vector_store %arg3[%swap3A, %swap3A_13, %swap3A_14], %swap3A_17 {strides = array<i32>} : memref<2x2000x128xf32, #tpu.memory_space<vmem>>, vector<1x2000x128xf32>,
    %slice3A_18 = vector.extract_strided_slice %mul3A_11 {offsets = [0, 128], sizes = [2000, 128], strides = [1, 1]} : vector<2000x256xf32> to vector<2000x128xf32>
    %swap3A_19 = arith.constant 1 : index
    %swap3A_20 = arith.constant 0 : index
    %swap3A_21 = arith.constant 0 : index
    %swap3A_22 = vector.load %arg3[%swap3A_19, %swap3A_20, %swap3A_21] : memref<2x2000x128xf32, #tpu.memory_space<vmem>>, vector<1x2000x128xf32>
    %swap3A_23 = vector.shape_cast %swap3A_22 : vector<1x2000x128xf32> to vector<2000x128xf32>
    %swap3A_24 = vector.shape_cast %slice3A_18 : vector<2000x128xf32> to vector<1x2000x128xf32>
    tpu.vector_store %arg3[%swap3A_19, %swap3A_20, %swap3A_21], %swap3A_24 {strides = array<i32>} : memref<2x2000x128xf32, #tpu.memory_space<vmem>>, vector<1x2000x128xf32>,
    return
  }
  func.func @transform_0(%arg0: i32) -> (i32, i32, i32) {
    %c0_i32 = arith.constant 0 : i32
    %c0_i32_0 = arith.constant 0 : i32
    %c0_i32_1 = arith.constant 0 : i32
    return %c0_i32, %arg0, %c0_i32_0 : i32, i32, i32
  }
  func.func @transform_1(%arg0: i32) -> (i32, i32) {
    %c0_i32 = arith.constant 0 : i32
    %c0_i32_0 = arith.constant 0 : i32
    return %arg0, %c0_i32 : i32, i32
  }
  func.func @transform_2(%arg0: i32) -> (i32, i32, i32) {
    %c0_i32 = arith.constant 0 : i32
    %c0_i32_0 = arith.constant 0 : i32
    %c0_i32_1 = arith.constant 0 : i32
    return %c0_i32, %arg0, %c0_i32_0 : i32, i32, i32
  }
}

module attributes {stable_mosaic.version = 14 : i64} {
  func.func @_dense_body(%arg0: i32, %arg1: memref<2x2000x128xf32, #tpu.memory_space<vmem>>, %arg2: memref<2x2000x128xf32, #tpu.memory_space<vmem>>, %arg3: memref<256x512xf32, #tpu.memory_space<vmem>>, %arg4: memref<1x512xf32, #tpu.memory_space<vmem>>, %arg5: memref<512x256xf32, #tpu.memory_space<vmem>>, %arg6: memref<2x2000x128xf32, #tpu.memory_space<vmem>>) attributes {dimension_semantics = [#tpu.dimension_semantics<arbitrary>], iteration_bounds = array<i64: 5>, scalar_prefetch = 0 : i64, scratch_operands = 0 : i64, tpu.core_type = #tpu.core_type<tc>, window_params = [{transform_indices = @transform_0, window_bounds = array<i64: 2, 2000, 128>}, {transform_indices = @transform_1, window_bounds = array<i64: 2, 2000, 128>}, {pipeline_mode = #tpu.pipeline_mode<synchronous>, transform_indices = @transform_2, window_bounds = array<i64: 256, 512>}, {pipeline_mode = #tpu.pipeline_mode<synchronous>, transform_indices = @transform_3, window_bounds = array<i64: 1, 512>}, {pipeline_mode = #tpu.pipeline_mode<synchronous>, transform_indices = @transform_4, window_bounds = array<i64: 512, 256>}, {transform_indices = @transform_5, window_bounds = array<i64: 2, 2000, 128>}]} {
    %get3A = arith.constant 0 : index
    %get3A_0 = arith.constant 0 : index
    %get3A_1 = arith.constant 0 : index
    %get3A_2 = vector.load %arg1[%get3A, %get3A_0, %get3A_1] : memref<2x2000x128xf32, #tpu.memory_space<vmem>>, vector<2x2000x128xf32>
    %slice3A = vector.extract_strided_slice %get3A_2 {offsets = [0, 0, 0], sizes = [1, 2000, 1], strides = [1, 1, 1]} : vector<2x2000x128xf32> to vector<1x2000x1xf32>
    %squeeze3A = vector.shape_cast %slice3A : vector<1x2000x1xf32> to vector<2000xf32>
    %add3A = arith.constant 1.000000e+00 : f32
    %add3A_3 = vector.broadcast %add3A : f32 to vector<2000xf32>
    %add3A_4 = arith.addf %add3A_3, %squeeze3A : vector<2000xf32>
    %slice3A_5 = vector.extract_strided_slice %get3A_2 {offsets = [1, 0, 0], sizes = [1, 2000, 1], strides = [1, 1, 1]} : vector<2x2000x128xf32> to vector<1x2000x1xf32>
    %squeeze3A_6 = vector.shape_cast %slice3A_5 : vector<1x2000x1xf32> to vector<2000xf32>
    %add3A_7 = arith.addf %add3A_4, %squeeze3A_6 : vector<2000xf32>
    %rsqrt3A = math.rsqrt %add3A_7 : vector<2000xf32>
    %get3A_8 = arith.constant 0 : index
    %get3A_9 = arith.constant 0 : index
    %get3A_10 = arith.constant 0 : index
    %get3A_11 = vector.load %arg2[%get3A_8, %get3A_9, %get3A_10] : memref<2x2000x128xf32, #tpu.memory_space<vmem>>, vector<1x2000x128xf32>
    %get3A_12 = vector.shape_cast %get3A_11 : vector<1x2000x128xf32> to vector<2000x128xf32>
    %get3A_13 = arith.constant 1 : index
    %get3A_14 = arith.constant 0 : index
    %get3A_15 = arith.constant 0 : index
    %get3A_16 = vector.load %arg2[%get3A_13, %get3A_14, %get3A_15] : memref<2x2000x128xf32, #tpu.memory_space<vmem>>, vector<1x2000x128xf32>
    %get3A_17 = vector.shape_cast %get3A_16 : vector<1x2000x128xf32> to vector<2000x128xf32>
    %concatenate3A = tpu.concatenate %get3A_12, %get3A_17 in 1 : vector<2000x128xf32>, vector<2000x128xf32> -> vector<2000x256xf32>
    %broadcast_in_dim3A = vector.shape_cast %rsqrt3A : vector<2000xf32> to vector<2000x1xf32>
    %mul3A = vector.broadcast %broadcast_in_dim3A : vector<2000x1xf32> to vector<2000x256xf32>
    %mul3A_18 = arith.mulf %concatenate3A, %mul3A : vector<2000x256xf32>
    %get3A_19 = arith.constant 0 : index
    %get3A_20 = arith.constant 0 : index
    %get3A_21 = vector.load %arg3[%get3A_19, %get3A_20] : memref<256x512xf32, #tpu.memory_space<vmem>>, vector<256x512xf32>
    %dot_general3A = arith.constant dense<0.000000e+00> : vector<2000x512xf32>
    %dot_general3A_22 = tpu.matmul %mul3A_18, %get3A_21, %dot_general3A {dimension_numbers = #tpu.dot_dimension_numbers<[1], [0], [0], [1], [0, 0, 1, 1], [], []>, transpose_lhs_hint = false} : vector<2000x256xf32>, vector<256x512xf32>, vector<2000x512xf32> -> vector<2000x512xf32>
    %get3A_23 = arith.constant 0 : index
    %get3A_24 = arith.constant 0 : index
    %get3A_25 = vector.load %arg4[%get3A_23, %get3A_24] : memref<1x512xf32, #tpu.memory_space<vmem>>, vector<1x512xf32>
    %add3A_26 = vector.broadcast %get3A_25 : vector<1x512xf32> to vector<2000x512xf32>
    %add3A_27 = arith.addf %dot_general3A_22, %add3A_26 : vector<2000x512xf32>
    %max3A = arith.constant 0.000000e+00 : f32
    %max3A_28 = vector.broadcast %max3A : f32 to vector<2000x512xf32>
    %max3A_29 = arith.maximumf %add3A_27, %max3A_28 : vector<2000x512xf32>
    %get3A_30 = arith.constant 0 : index
    %get3A_31 = arith.constant 0 : index
    %get3A_32 = vector.load %arg5[%get3A_30, %get3A_31] : memref<512x256xf32, #tpu.memory_space<vmem>>, vector<512x256xf32>
    %dot_general3A_33 = arith.constant dense<0.000000e+00> : vector<2000x256xf32>
    %dot_general3A_34 = tpu.matmul %max3A_29, %get3A_32, %dot_general3A_33 {dimension_numbers = #tpu.dot_dimension_numbers<[1], [0], [0], [1], [0, 0, 1, 1], [], []>, transpose_lhs_hint = false} : vector<2000x512xf32>, vector<512x256xf32>, vector<2000x256xf32> -> vector<2000x256xf32>
    %broadcast_in_dim3A_35 = vector.shape_cast %rsqrt3A : vector<2000xf32> to vector<2000x1xf32>
    %mul3A_36 = vector.broadcast %broadcast_in_dim3A_35 : vector<2000x1xf32> to vector<2000x256xf32>
    %mul3A_37 = arith.mulf %dot_general3A_34, %mul3A_36 : vector<2000x256xf32>
    %slice3A_38 = vector.extract_strided_slice %mul3A_37 {offsets = [0, 0], sizes = [2000, 128], strides = [1, 1]} : vector<2000x256xf32> to vector<2000x128xf32>
    %swap3A = arith.constant 0 : index
    %swap3A_39 = arith.constant 0 : index
    %swap3A_40 = arith.constant 0 : index
    %swap3A_41 = vector.load %arg6[%swap3A, %swap3A_39, %swap3A_40] : memref<2x2000x128xf32, #tpu.memory_space<vmem>>, vector<1x2000x128xf32>
    %swap3A_42 = vector.shape_cast %swap3A_41 : vector<1x2000x128xf32> to vector<2000x128xf32>
    %swap3A_43 = vector.shape_cast %slice3A_38 : vector<2000x128xf32> to vector<1x2000x128xf32>
    tpu.vector_store %arg6[%swap3A, %swap3A_39, %swap3A_40], %swap3A_43 {strides = array<i32>} : memref<2x2000x128xf32, #tpu.memory_space<vmem>>, vector<1x2000x128xf32>,
    %slice3A_44 = vector.extract_strided_slice %mul3A_37 {offsets = [0, 128], sizes = [2000, 128], strides = [1, 1]} : vector<2000x256xf32> to vector<2000x128xf32>
    %swap3A_45 = arith.constant 1 : index
    %swap3A_46 = arith.constant 0 : index
    %swap3A_47 = arith.constant 0 : index
    %swap3A_48 = vector.load %arg6[%swap3A_45, %swap3A_46, %swap3A_47] : memref<2x2000x128xf32, #tpu.memory_space<vmem>>, vector<1x2000x128xf32>
    %swap3A_49 = vector.shape_cast %swap3A_48 : vector<1x2000x128xf32> to vector<2000x128xf32>
    %swap3A_50 = vector.shape_cast %slice3A_44 : vector<2000x128xf32> to vector<1x2000x128xf32>
    tpu.vector_store %arg6[%swap3A_45, %swap3A_46, %swap3A_47], %swap3A_50 {strides = array<i32>} : memref<2x2000x128xf32, #tpu.memory_space<vmem>>, vector<1x2000x128xf32>,
    return
  }
  func.func @transform_0(%arg0: i32) -> (i32, i32, i32) {
    %c0_i32 = arith.constant 0 : i32
    %c0_i32_0 = arith.constant 0 : i32
    %c0_i32_1 = arith.constant 0 : i32
    return %c0_i32, %arg0, %c0_i32_0 : i32, i32, i32
  }
  func.func @transform_1(%arg0: i32) -> (i32, i32, i32) {
    %c0_i32 = arith.constant 0 : i32
    %c0_i32_0 = arith.constant 0 : i32
    %c0_i32_1 = arith.constant 0 : i32
    return %c0_i32, %arg0, %c0_i32_0 : i32, i32, i32
  }
  func.func @transform_2(%arg0: i32) -> (i32, i32) {
    %c0_i32 = arith.constant 0 : i32
    %c0_i32_0 = arith.constant 0 : i32
    %c0_i32_1 = arith.constant 0 : i32
    return %c0_i32, %c0_i32_0 : i32, i32
  }
  func.func @transform_3(%arg0: i32) -> (i32, i32) {
    %c0_i32 = arith.constant 0 : i32
    %c0_i32_0 = arith.constant 0 : i32
    %c0_i32_1 = arith.constant 0 : i32
    return %c0_i32, %c0_i32_0 : i32, i32
  }
  func.func @transform_4(%arg0: i32) -> (i32, i32) {
    %c0_i32 = arith.constant 0 : i32
    %c0_i32_0 = arith.constant 0 : i32
    %c0_i32_1 = arith.constant 0 : i32
    return %c0_i32, %c0_i32_0 : i32, i32
  }
  func.func @transform_5(%arg0: i32) -> (i32, i32, i32) {
    %c0_i32 = arith.constant 0 : i32
    %c0_i32_0 = arith.constant 0 : i32
    %c0_i32_1 = arith.constant 0 : i32
    return %c0_i32, %arg0, %c0_i32_0 : i32, i32, i32
  }
}

module attributes {stable_mosaic.version = 14 : i64} {
  func.func @_out_body(%arg0: i32, %arg1: memref<2x2000x128xf32, #tpu.memory_space<vmem>>, %arg2: memref<2x2000x128xf32, #tpu.memory_space<vmem>>, %arg3: memref<1x256xf32, #tpu.memory_space<vmem>>, %arg4: memref<2000x256xf32, #tpu.memory_space<vmem>>) attributes {dimension_semantics = [#tpu.dimension_semantics<arbitrary>], iteration_bounds = array<i64: 5>, scalar_prefetch = 0 : i64, scratch_operands = 0 : i64, tpu.core_type = #tpu.core_type<tc>, window_params = [{transform_indices = @transform_0, window_bounds = array<i64: 2, 2000, 128>}, {transform_indices = @transform_1, window_bounds = array<i64: 2, 2000, 128>}, {pipeline_mode = #tpu.pipeline_mode<synchronous>, transform_indices = @transform_2, window_bounds = array<i64: 1, 256>}, {transform_indices = @transform_3, window_bounds = array<i64: 2000, 256>}]} {
    %get3A = arith.constant 0 : index
    %get3A_0 = arith.constant 0 : index
    %get3A_1 = arith.constant 0 : index
    %get3A_2 = vector.load %arg1[%get3A, %get3A_0, %get3A_1] : memref<2x2000x128xf32, #tpu.memory_space<vmem>>, vector<2x2000x128xf32>
    %slice3A = vector.extract_strided_slice %get3A_2 {offsets = [0, 0, 0], sizes = [1, 2000, 1], strides = [1, 1, 1]} : vector<2x2000x128xf32> to vector<1x2000x1xf32>
    %squeeze3A = vector.shape_cast %slice3A : vector<1x2000x1xf32> to vector<2000xf32>
    %add3A = arith.constant 1.000000e+00 : f32
    %add3A_3 = vector.broadcast %add3A : f32 to vector<2000xf32>
    %add3A_4 = arith.addf %add3A_3, %squeeze3A : vector<2000xf32>
    %slice3A_5 = vector.extract_strided_slice %get3A_2 {offsets = [1, 0, 0], sizes = [1, 2000, 1], strides = [1, 1, 1]} : vector<2x2000x128xf32> to vector<1x2000x1xf32>
    %squeeze3A_6 = vector.shape_cast %slice3A_5 : vector<1x2000x1xf32> to vector<2000xf32>
    %add3A_7 = arith.addf %add3A_4, %squeeze3A_6 : vector<2000xf32>
    %rsqrt3A = math.rsqrt %add3A_7 : vector<2000xf32>
    %get3A_8 = arith.constant 0 : index
    %get3A_9 = arith.constant 0 : index
    %get3A_10 = arith.constant 0 : index
    %get3A_11 = vector.load %arg2[%get3A_8, %get3A_9, %get3A_10] : memref<2x2000x128xf32, #tpu.memory_space<vmem>>, vector<1x2000x128xf32>
    %get3A_12 = vector.shape_cast %get3A_11 : vector<1x2000x128xf32> to vector<2000x128xf32>
    %get3A_13 = arith.constant 1 : index
    %get3A_14 = arith.constant 0 : index
    %get3A_15 = arith.constant 0 : index
    %get3A_16 = vector.load %arg2[%get3A_13, %get3A_14, %get3A_15] : memref<2x2000x128xf32, #tpu.memory_space<vmem>>, vector<1x2000x128xf32>
    %get3A_17 = vector.shape_cast %get3A_16 : vector<1x2000x128xf32> to vector<2000x128xf32>
    %concatenate3A = tpu.concatenate %get3A_12, %get3A_17 in 1 : vector<2000x128xf32>, vector<2000x128xf32> -> vector<2000x256xf32>
    %broadcast_in_dim3A = vector.shape_cast %rsqrt3A : vector<2000xf32> to vector<2000x1xf32>
    %mul3A = vector.broadcast %broadcast_in_dim3A : vector<2000x1xf32> to vector<2000x256xf32>
    %mul3A_18 = arith.mulf %concatenate3A, %mul3A : vector<2000x256xf32>
    %get3A_19 = arith.constant 0 : index
    %get3A_20 = arith.constant 0 : index
    %get3A_21 = vector.load %arg3[%get3A_19, %get3A_20] : memref<1x256xf32, #tpu.memory_space<vmem>>, vector<1x256xf32>
    %add3A_22 = vector.broadcast %get3A_21 : vector<1x256xf32> to vector<2000x256xf32>
    %add3A_23 = arith.addf %mul3A_18, %add3A_22 : vector<2000x256xf32>
    %reduce_max3A = arith.constant dense<0xFF800000> : vector<2000xf32>
    %reduce_max3A_24 = vector.multi_reduction <maximumf>, %add3A_23, %reduce_max3A [1] : vector<2000x256xf32> to vector<2000xf32>
    %broadcast_in_dim3A_25 = vector.shape_cast %reduce_max3A_24 : vector<2000xf32> to vector<2000x1xf32>
    %sub3A = vector.broadcast %broadcast_in_dim3A_25 : vector<2000x1xf32> to vector<2000x256xf32>
    %sub3A_26 = arith.subf %add3A_23, %sub3A : vector<2000x256xf32>
    %exp3A = math.exp %sub3A_26 : vector<2000x256xf32>
    %reduce_sum3A = arith.constant dense<0.000000e+00> : vector<2000xf32>
    %reduce_sum3A_27 = vector.multi_reduction <add>, %exp3A, %reduce_sum3A [1] : vector<2000x256xf32> to vector<2000xf32>
    %broadcast_in_dim3A_28 = vector.shape_cast %reduce_sum3A_27 : vector<2000xf32> to vector<2000x1xf32>
    %log3A = math.log %broadcast_in_dim3A_28 : vector<2000x1xf32>
    %sub3A_29 = vector.broadcast %log3A : vector<2000x1xf32> to vector<2000x256xf32>
    %sub3A_30 = arith.subf %sub3A_26, %sub3A_29 : vector<2000x256xf32>
    %swap3A = arith.constant 0 : index
    %swap3A_31 = arith.constant 0 : index
    %swap3A_32 = vector.load %arg4[%swap3A, %swap3A_31] : memref<2000x256xf32, #tpu.memory_space<vmem>>, vector<2000x256xf32>
    tpu.vector_store %arg4[%swap3A, %swap3A_31], %sub3A_30 {strides = array<i32>} : memref<2000x256xf32, #tpu.memory_space<vmem>>, vector<2000x256xf32>,
    return
  }
  func.func @transform_0(%arg0: i32) -> (i32, i32, i32) {
    %c0_i32 = arith.constant 0 : i32
    %c0_i32_0 = arith.constant 0 : i32
    %c0_i32_1 = arith.constant 0 : i32
    return %c0_i32, %arg0, %c0_i32_0 : i32, i32, i32
  }
  func.func @transform_1(%arg0: i32) -> (i32, i32, i32) {
    %c0_i32 = arith.constant 0 : i32
    %c0_i32_0 = arith.constant 0 : i32
    %c0_i32_1 = arith.constant 0 : i32
    return %c0_i32, %arg0, %c0_i32_0 : i32, i32, i32
  }
  func.func @transform_2(%arg0: i32) -> (i32, i32) {
    %c0_i32 = arith.constant 0 : i32
    %c0_i32_0 = arith.constant 0 : i32
    %c0_i32_1 = arith.constant 0 : i32
    return %c0_i32, %c0_i32_0 : i32, i32
  }
  func.func @transform_3(%arg0: i32) -> (i32, i32) {
    %c0_i32 = arith.constant 0 : i32
    %c0_i32_0 = arith.constant 0 : i32
    return %arg0, %c0_i32 : i32, i32
  }
}

</mosaic_0001>

<sc_bundles>
// kernel: kernel.11.cloned.1.call-start
scs
__scs_entry_jumppad:
0x0: {  	(pc) =	sbr.rel $0x88, $3  }
0x1: {  	(tag) =	ssettag $0x0;
	lr =	simm.s32 $0x1  }
0x2: {  	[smem:$0x3F9B] =	sst lr;
	_ =	strace $0xD0000000  }
0x3: {  	_ = 	snop  }
0x4: {  	_ = 	snop  }
0x5: {  	_ = 	snop  }
0x6: {  	_ = 	snop  }
0x7: {  	_ = 	snop  }
__scs_overlays_trampoline_lowered:
0x8: {  	[smem:$0x3FAA] =	sst s0  }
0x9: {  	[smem:$0x3FAB] =	sst s1  }
0xa: {  	[smem:$0x3FAC] =	sst s2  }
0xb: {  	[smem:$0x3FAD] =	sst s3  }
0xc: {  	[smem:$0x3FAE] =	sst s4  }
0xd: {  	[smem:$0x3FAF] =	sst s5  }
0xe: {  	[smem:$0x3FB0] =	sst s6  }
0xf: {  	[smem:$0x3FB1] =	sst s7  }
0x10: {  	[smem:$0x3FB2] =	sst s8  }
0x11: {  	[smem:$0x3FB3] =	sst s9;
	s0 =	simm.s32 @!p0 $0x0  }
0x12: {  	s1 =	sld [smem:$0x3F99];
	s0 =	simm.s32 @p0 $0x1  }
0x13: {  	[smem:$0x3FB4] =	sst s0;
	s0 =	simm.s32 @!p1 $0x0  }
0x14: {  	s2 =	sld [smem:$0x3F98];
	s0 =	simm.s32 @p1 $0x1  }
0x15: {  	[smem:$0x3FB5] =	sst s0;
	s0 =	simm.s32 @!p2 $0x0  }
0x16: {  	s3 =	sld [smem:$0x3FDB];
	s0 =	simm.s32 @p2 $0x1  }
0x17: {  	s4 =	simm.s32 $0x1BF5;
	[smem:$0x3FB7] =	sst s0  }
0x18: {  	s0 =	sld [smem:$0x3F9A];
	_ =	swait.ge [sflag:s4], $0x0  }
0x19: {  	s7 =	sld [smem:$0x3F9B]  }
0x1a: {  	s8 =	sadd.s32 $0xFFFFE003, lr  }
0x1b: {  	s9 =	sadd.s32 $0xFFFFFEF7, lr;
	s5 =	simm.s32 $0xFFFFFFFF;
	p2 =	slt.u32 s8, $0xFFFFF086  }
0x1c: {  	p1 =	slt.u32 s9, $0xF7A;
	s5 =	simm.s32 @!p2 $0x0  }
0x1d: {  	s5 =	simm.s32 @p1 $0x1;
	p0 =	seq.s32 s7, s2  }
0x1e: {  	s7 =	smul.u32 @!p0 $0xF7A, s2;
	p2 =	seq.s32 @!p0 s5, $0x0  }
0x1f: {  	s9 =	smul.u32 $0xF7A, s1;
	s8 =	simm.s32 @!p0 $0x1BF5;
	p2 =	por !p2, p0  }
0x20: {  	[sflag:s8] =	ssyncset.s32 @!p0 $0xFFFFF086;
	s6 =	sadd.s32 @!p0 s3, s7;
	s7 =	simm.s32 @!p0 $0x108  }
0x21: {  	s3 =	sadd.s32 s3, s9;
	s6 =	sadd.s32 @!p0 $0x88, s6;
	s7 =	simm.s32 @p2 $0x1082  }
0x22: {  	[simem:s7], [sflag:s8] =	dma.local @!p0 [hbm:s6], $0xF7A  }
0x23: {  	s9 =	sor.u32 $0xD0000000, s2;
	s6 =	simm.s32 $0x108;
	_ =	swait.ge @!p0 [sflag:s8], $0x0  }
0x24: {  	s3 =	sadd.s32 $0x88, s3;
	s6 =	simm.s32 @!p1 $0x1082;
	[sflag:s4] =	ssyncset.s32 $0xFFFFF086  }
0x25: {  	[simem:s6], [sflag:s4] =	dma.local [hbm:s3], $0xF7A  }
0x26: {  	[smem:$0x3F9B] =	sst s1;
	(tag) =	ssettag s2;
	_ =	strace s9  }
0x27: {  	s1 =	sld [smem:$0x3FAB]  }
0x28: {  	s2 =	sld [smem:$0x3FAC]  }
0x29: {  	s4 =	sld [smem:$0x3FAE]  }
0x2a: {  	p0 =	seq.s32 s5, $0x0;
	s5 =	sld [smem:$0x3FAF]  }
0x2b: {  	s6 =	sld [smem:$0x3FB0]  }
0x2c: {  	s7 =	sld [smem:$0x3FB1]  }
0x2d: {  	s3 =	simm.s32 $0x108;
	s8 =	sld [smem:$0x3FB2]  }
0x2e: {  	s3 =	simm.s32 @!p0 $0x1082;
	s9 =	sld [smem:$0x3FB3]  }
0x2f: {  	lr =	sadd.s32 s0, s3;
	s0 =	sld [smem:$0x3FAA]  }
0x30: {  	s3 =	sld [smem:$0x3FAD]  }
0x31: {  	[smem:$0x3FB6] =	sst s10  }
0x32: {  	s10 =	sld [smem:$0x3FB4];
	_ =	sdelay $0x3  }
0x33: {  	p0 =	seq.s32 s10, $0x1;
	s10 =	sld [smem:$0x3FB6];
	_ =	sdelay $0x3  }
0x34: {  	[smem:$0x3FB6] =	sst s10  }
0x35: {  	s10 =	sld [smem:$0x3FB5];
	_ =	sdelay $0x3  }
0x36: {  	p1 =	seq.s32 s10, $0x1;
	s10 =	sld [smem:$0x3FB6];
	_ =	sdelay $0x3  }
0x37: {  	[smem:$0x3FB6] =	sst s10  }
0x38: {  	s10 =	sld [smem:$0x3FB7]  }
0x39: {  	_ = 	snop;
	(pc) =	sbr.ind lr, $3  }
0x3a: {  	_ = 	snop  }
0x3b: {  	_ = 	snop  }
0x3c: {  	p2 =	seq.s32 s10, $0x1;
	s10 =	sld [smem:$0x3FB6]  }
0x3d: {  	_ =	shalt  }
0x3e: {  	_ =	shalt  }
0x3f: {  	_ =	shalt  }
0x40: {  	_ =	shalt  }
0x41: {  	_ =	shalt  }
0x42: {  	_ =	shalt  }
0x43: {  	_ =	shalt  }
0x44: {  	_ =	shalt  }
0x45: {  	_ =	shalt  }
0x46: {  	_ =	shalt  }
0x47: {  	_ =	shalt  }
0x48: {  	_ =	shalt  }
0x49: {  	_ =	shalt  }
0x4a: {  	_ =	shalt  }
0x4b: {  	_ =	shalt  }
0x4c: {  	_ =	shalt  }
0x4d: {  	_ =	shalt  }
0x4e: {  	_ =	shalt  }
0x4f: {  	_ =	shalt  }
0x50: {  	_ =	shalt  }
0x51: {  	_ =	shalt  }
0x52: {  	_ =	shalt  }
0x53: {  	_ =	shalt  }
0x54: {  	_ =	shalt  }
0x55: {  	_ =	shalt  }
0x56: {  	_ =	shalt  }
0x57: {  	_ =	shalt  }
0x58: {  	_ =	shalt  }
0x59: {  	_ =	shalt  }
0x5a: {  	_ =	shalt  }
0x5b: {  	_ =	shalt  }
0x5c: {  	_ =	shalt  }
0x5d: {  	_ =	shalt  }
0x5e: {  	_ =	shalt  }
0x5f: {  	_ =	shalt  }
0x60: {  	_ =	shalt  }
0x61: {  	_ =	shalt  }
0x62: {  	_ =	shalt  }
0x63: {  	_ =	shalt  }
0x64: {  	_ =	shalt  }
0x65: {  	_ =	shalt  }
0x66: {  	_ =	shalt  }
0x67: {  	_ =	shalt  }
0x68: {  	_ =	shalt  }
0x69: {  	_ =	shalt  }
0x6a: {  	_ =	shalt  }
0x6b: {  	_ =	shalt  }
0x6c: {  	_ =	shalt  }
0x6d: {  	_ =	shalt  }
0x6e: {  	_ =	shalt  }
0x6f: {  	_ =	shalt  }
0x70: {  	_ =	shalt  }
0x71: {  	_ =	shalt  }
0x72: {  	_ =	shalt  }
0x73: {  	_ =	shalt  }
0x74: {  	_ =	shalt  }
0x75: {  	_ =	shalt  }
0x76: {  	_ =	shalt  }
0x77: {  	_ =	shalt  }
0x78: {  	_ =	shalt  }
0x79: {  	_ =	shalt  }
0x7a: {  	_ =	shalt  }
0x7b: {  	_ =	shalt  }
0x7c: {  	_ =	shalt  }
0x7d: {  	_ =	shalt  }
0x7e: {  	_ =	shalt  }
0x7f: {  	_ =	shalt  }
0x80: {  	_ =	shalt  }
0x81: {  	_ =	shalt  }
0x82: {  	_ =	shalt  }
0x83: {  	_ =	shalt  }
0x84: {  	_ =	shalt  }
0x85: {  	_ =	shalt  }
0x86: {  	_ =	shalt  }
0x87: {  	_ =	shalt  }
.Lfunc_end0:
.L_simem_size_0:
called_computation.1_lowered:
.L_overlay_start_0:
0x88: {  	s2 =	sld [smem:$0x3FD9]  }
0x89: {  	s3 =	sld [smem:$0x3FFE];
	_ =	sdelay $0x1  }
0x8a: {  	s1 =	srdreg.scid  }
0x8b: {  	s0 =	sand.u32 $0x1, s1  }
0x8c: {  	s16 =	sshll.u32 s0, $0xA;
	s2 =	sadd.s32 s3, s2  }
0x8d: {  	s2 =	sadd.s32 s2, s16  }
0x8e: {  	[smem:$0x3FC2] =	sst s2  }
0x8f: {  	_ = 	snop  }
0x90: {  	(tm) =	ssettm $0x1  }
0x91: {  	s17 =	sld [smem:$0x3FFB];
	_ =	sdelay $0x3  }
0x92: {  	_ =	strace s17  }
0x93: {  	s2 =	sld [smem:$0x3FFC];
	_ =	sdelay $0x3  }
0x94: {  	_ =	strace s2  }
0x95: {  	s2 =	sld [smem:$0x3FFD];
	_ =	sdelay $0x3  }
0x96: {  	_ =	strace s2  }
0x97: {  	_ =	strace $0x8FFFFFFF  }
0x98: {  	s18 =	sld [smem:$0x3FDB];
	_ =	sdelay $0x1  }
0x99: {  	s19 =	simm.s32 $_scs_section_size  }
0x9a: {  	s4 =	simm.s32 $_size__tile_overlayer_lowered;
	s5 =	simm.s32 $_tile_overlayer_lowered  }
0x9b: {  	s22 =	simm.s32 $0x1BFF;
	s21 =	sshll.u32 s5, $0x1;
	s2 =	sadd.s32 s19, s18  }
0x9c: {  	s6 =	simm.s32 $0x0;
	s20 =	sshll.u32 s4, $0x1;
	s4 =	sadd.s32 s21, s2  }
0x9d: {  	[timem:s6], [sflag:s22] =	dma.local [hbm:s4], s20  }
0x9e: {  	_ =	swait.ge [sflag:s22], s20  }
0x9f: {  	s3 =	ssub.s32 $0x0, s20;
	[sflag:s22] =	ssyncset.done $0x0  }
0xa0: {  	[sflag:s22] =	ssyncadd.s32 s3;
	_ =	sdelay $0x1  }
0xa1: {  	s23 =	simm.s32 $0x1B8B  }
0xa2: {  	_ =	swait.ge [sflag:s23], $0x1  }
0xa3: {  	[sflag:s23] =	ssyncset.done $0x0  }
0xa4: {  	s25 =	simm.s32 $0x1B8E;
	s24 =	sld [smem:$0x3FFE];
	[sflag:s23] =	ssyncadd.s32 $0xFFFFFFFF  }
0xa5: {  	s26 =	simm.s32 $execute0_lowered;
	[smem:$0x3FD2] =	sst s25  }
0xa6: {  	s4 =	sshll.u32 s26, $0x1;
	_ =	strace $0x80000049;
	[dreg:$0x1] =	wrdreg $0xFFFFFFFF  }
0xa7: {  	s28 =	simm.s32 $_size_execute0_lowered;
	s2 =	sadd.s32 s2, s4;
	[dreg:$0x0] =	wrdreg $0x0  }
0xa8: {  	s4 =	sshll.u32 s28, $0x1;
	[dreg:$0x2] =	wrdreg s2  }
0xa9: {  	[dreg:$0x3] =	wrdreg s4  }
0xaa: {  	[dreg:$0x4] =	wrdreg $0xC0  }
0xab: {  	_ =	task [dreg:s6], $0x5FFFF  }
0xac: {  	[dreg:$0x1] =	wrdreg $0xFFFFFFFF  }
0xad: {  	[dreg:$0x0] =	wrdreg $0x60  }
0xae: {  	[dreg:$0x2] =	wrdreg s24  }
0xaf: {  	[dreg:$0x3] =	wrdreg $0xA8000  }
0xb0: {  	[dreg:$0x4] =	wrdreg $0x9  }
0xb1: {  	_ =	task.clear_ibuf [dreg:s6], $0x5FFFF;
	_ =	strace $0x90000049  }
0xb2: {  	s29 =	simm.s32 $0x9;
	_ =	strace $0x8000004B  }
0xb3: {  	_ =	swait.ge [sflag:s29], $0x1  }
0xb4: {  	[sflag:s29] =	ssyncadd.s32 $0xFFFFFFFF  }
0xb5: {  	_ =	strace $0x9000004B  }
0xb6: {  	_ =	sfence  }
0xb7: {  	s30 =	sld [smem:$0x0];
	_ =	sdelay $0x2  }
0xb8: {  	s31 =	sshll.u32 s1, $0xD;
	s1 =	sshrl.u32 s1, $0x2  }
0xb9: {  	s3 =	sand.u32 $0x4000, s31;
	s1 =	sadd.s32 s1, s30  }
0xba: {  	s0 =	sor.u32 s3, s0;
	s1 =	sshll.u32 s1, $0x11  }
0xbb: {  	s0 =	sor.u32 s1, s0  }
0xbc: {  	s0 =	sadd.s32 $0x8F2B, s0  }
0xbd: {  	[sflag:s0] =	ssyncadd.remote.s32 $0x1  }
0xbe: {  	_ =	sfence.sel $0xFFFF  }
0xbf: {  	[dreg:$0x0] =	wrdreg $0xFFFFFFFF;
	(pc) =	sbr.abs _section_cstart, $3  }
0xc0: {  	[dreg:$0x1] =	wrdreg $0xFFFFFFFF  }
0xc1: {  	_ =	task.clear_ibuf [dreg:s6], $0x2FFFF;
	_ =	strace $0x9FFFFFFF  }
0xc2: {  	(tm) =	ssettm $0x7FFFFFFF  }
0xc3: {  	_ =	shalt  }
tec
execute0_lowered:
.L_overlay_start_1:
0x0: {  	(tag) =	ssettag $0x1  }
0x1: {  	s4 =	rddreg [dreg:$0x0]  }
0x2: {  	s1 =	rddreg [dreg:$0x1]  }
0x3: {  	s2 =	srdreg.scid;
	s0 =	rddreg [dreg:$0x2]  }
0x4: {  	s3 =	simm.s32 $0x0;
	s17 =	simm.s32 $0x2800;
	s18 =	simm.s32 $0x6800  }
0x5: {  	s19 =	simm.s32 $0x1;
	s20 =	simm.s32 $0x2;
	s21 =	simm.s32 $0x2700  }
0x6: {  	s22 =	simm.s32 $0x2780;
	s5 =	sand.u32 $0x1, s2;
	s2 =	stileid.u32  }
0x7: {  	s23 =	simm.s32 $0x0;
	[smem:$0x7FF] =	sst s3;
	s7 =	smul.u32 $0x140000, s5  }
0x8: {  	s8 =	sadd.s32 $0x5CE00, s4;
	s9 =	sadd.s32 $0x2600, s4;
	s6 =	smul.u32 $0x14000, s2  }
0x9: {  	s10 =	sadd.s32 $0x7600, s4;
	_ =	strace $0x8000004A;
	s12 =	smul.u32 $0x50000, s2  }
0xa: {  	s5 =	ssub.s32 $0x2, s5;
	s26 =	smul.u32 $0x500, s2;
	s29 =	sshll.u32 s2, $0x6  }
0xb: {  	s30 =	smul.u32 $0x2800, s2;
	s11 =	sshrl.u32 s5, $0x1;
	s6 =	sadd.s32 s6, s7  }
0xc: {  	s14 =	ssub.s32 s5, s11;
	s28 =	sshrl.u32 s12, $0x2;
	s5 =	sor.u32 $0x1C03, s29  }
0xd: {  	s16 =	sshrl.u32 s7, $0x3;
	s12 =	sshrl.u32 s30, $0x3;
	s7 =	sadd.s32 s10, s26  }
0xe: {  	s6 =	sshrl.u32 s6, $0x3;
	s15 =	sadd.s32 s28, s1;
	s31 =	sadd.s32 $0x280, s12  }
0xf: {  	s12 =	smax.u32 s14, $0x1;
	s14 =	simm.s32 $0x3;
	s13 =	sadd.s32 s6, s4  }
0x10: {  	s4 =	sadd.s32 s8, s6;
	s6 =	sadd.s32 s9, s26;
	s8 =	sadd.s32 s8, s16  }
0x11: {  	s9 =	sadd.s32 s9, s31;
	s10 =	sadd.s32 s10, s31;
	s16 =	simm.s32 $0x80  }
0x12: {  	s11 =	sadd.s32 $0xACE00, s13;
	s13 =	sshrl.u32 s15, $0x3;
	s15 =	simm.s32 $0x1400  }
.LBB2_1:
0x13: {  	[spmem:s13], [sflag:s5] =	dma.local [hbm:s4], $0x2800  }
0x14: {  	_ =	swait.ge [sflag:s14], $0x2800  }
0x15: {  	[sflag:s14] =	ssyncset.done $0x0  }
0x16: {  	[sflag:s14] =	ssyncadd.s32 $0xFFFFD800  }
0x17: {  	[bflag:$0x0] =	sbarrier.arrive $0xFFFF  }
0x18: {  	[tilespmem:s3], [sflag:$0x3] =	stream.linear.gather [hbm4b:s6+s3], $0x1400, $0x38;
	[tilespmem:$0x1E800] =	vst v63  }
0x19: {  	_ =	swait.ge [sflag:s14], $0x1400  }
0x1a: {  	[sflag:s14] =	ssyncset.done $0x0  }
0x1b: {  	[sflag:s14] =	ssyncadd.s32 $0xFFFFEC00  }
0x1c: {  	[tilespmem:s15], [sflag:$0x3] =	stream.linear.gather [hbm4b:s7+s3], $0x1400, $0x38;
	[tilespmem:$0x1E800] =	vst v63  }
0x1d: {  	_ =	swait.ge [sflag:s14], $0x1400  }
0x1e: {  	[sflag:s14] =	ssyncset.done $0x0  }
0x1f: {  	[sflag:s14] =	ssyncadd.s32 $0xFFFFEC00  }
0x20: {  	[tilespmem:s17], [sflag:$0x1] =	stream.indirect.gather [hbm4b:s8+s16], $0x80, s3, s16, $0xb8;
	[tilespmem:$0x1E800] =	vst v63  }
0x21: {  	_ = 	snop  }
0x22: {  	[tilespmem:s18], [sflag:$0x2] =	stream.indirect.gather [hbm4b:s8+s16], $0x80, s16, s16, $0xb8;
	[tilespmem:$0x1E800] =	vst v63  }
0x23: {  	_ =	swait.ge [sflag:s19], $0x4000  }
0x24: {  	[sflag:s19] =	ssyncset.done $0x0  }
0x25: {  	s24 =	simm.s32 $0x1400;
	[sflag:s19] =	ssyncadd.s32 $0xFFFFC000  }
0x26: {  	[spmem:s1] =	stream.indirect.scatter.add.f32 [tilespmem:s17], [sflag:$0x3], $0x80, s24, s16, $0xb8;
	[tilespmem:$0x1E800] =	vst v63  }
0x27: {  	_ =	swait.ge [sflag:s14], $0x4000  }
0x28: {  	[sflag:s14] =	ssyncset.done $0x0  }
0x29: {  	s30 =	simm.s32 $0x100;
	[sflag:s14] =	ssyncadd.s32 $0xFFFFC000  }
0x2a: {  	[tilespmem:s17], [sflag:$0x1] =	stream.indirect.gather [hbm4b:s8+s16], $0x80, s30, s16, $0xb8;
	[tilespmem:$0x1E800] =	vst v63  }
0x2b: {  	_ =	swait.ge [sflag:s20], $0x4000  }
0x2c: {  	[sflag:s20] =	ssyncset.done $0x0  }
0x2d: {  	s31 =	simm.s32 $0x1480;
	[sflag:s20] =	ssyncadd.s32 $0xFFFFC000  }
0x2e: {  	[spmem:s1] =	stream.indirect.scatter.add.f32 [tilespmem:s18], [sflag:$0x3], $0x80, s31, s16, $0xb8;
	[tilespmem:$0x1E800] =	vst v63  }
0x2f: {  	_ =	swait.ge [sflag:s14], $0x4000  }
0x30: {  	[sflag:s14] =	ssyncset.done $0x0  }
0x31: {  	s25 =	simm.s32 $0x180;
	s24 =	simm.s32 $0x400;
	[sflag:s14] =	ssyncadd.s32 $0xFFFFC000  }
.LBB2_2:
0x32: {  	[tilespmem:s18], [sflag:$0x2] =	stream.indirect.gather [hbm4b:s8+s16], $0x80, s25, s16, $0xb8;
	[tilespmem:$0x1E800] =	vst v63  }
0x33: {  	s25 =	smov.u32 s24  }
0x34: {  	p0 =	sne.s32 s24, $0x4800;
	s24 =	sadd.s32 $0x400, s24;
	_ =	swait.ge [sflag:s19], $0x4000  }
0x35: {  	s25 =	sshra.s32 s25, $0x2;
	[sflag:s19] =	ssyncset.done $0x0  }
0x36: {  	s26 =	sadd.s32 $0x1400, s25;
	[sflag:s19] =	ssyncadd.s32 $0xFFFFC000  }
0x37: {  	[spmem:s1] =	stream.indirect.scatter.add.f32 [tilespmem:s17], [sflag:$0x3], $0x80, s26, s16, $0xb8;
	[tilespmem:$0x1E800] =	vst v63  }
0x38: {  	_ =	swait.ge [sflag:s14], $0x4000  }
0x39: {  	[sflag:s14] =	ssyncset.done $0x0  }
0x3a: {  	s26 =	sadd.s32 $0x100, s25;
	[sflag:s14] =	ssyncadd.s32 $0xFFFFC000  }
0x3b: {  	[tilespmem:s17], [sflag:$0x1] =	stream.indirect.gather [hbm4b:s8+s16], $0x80, s26, s16, $0xb8;
	[tilespmem:$0x1E800] =	vst v63  }
0x3c: {  	_ =	swait.ge [sflag:s20], $0x4000  }
0x3d: {  	[sflag:s20] =	ssyncset.done $0x0  }
.Ltmp0:
0x3e: {  	s26 =	sadd.s32 $0x1480, s25;
	[sflag:s20] =	ssyncadd.s32 $0xFFFFC000;
	(pc) =	sbr.rel @p0 .LBB2_2-.Ltmp0, $4  }
0x3f: {  	[spmem:s1] =	stream.indirect.scatter.add.f32 [tilespmem:s18], [sflag:$0x3], $0x80, s26, s16, $0xb8;
	[tilespmem:$0x1E800] =	vst v63  }
0x40: {  	_ =	swait.ge [sflag:s14], $0x4000  }
0x41: {  	[sflag:s14] =	ssyncset.done $0x0  }
0x42: {  	s25 =	sadd.s32 $0x180, s25;
	[sflag:s14] =	ssyncadd.s32 $0xFFFFC000  }
0x43: {  	[tilespmem:s18], [sflag:$0x2] =	stream.indirect.gather [hbm4b:s8+s16], $0x80, s25, s16, $0xb8;
	[tilespmem:$0x1E800] =	vst v63  }
0x44: {  	_ =	swait.ge [sflag:s19], $0x4000  }
0x45: {  	[sflag:s19] =	ssyncset.done $0x0  }
0x46: {  	[sflag:s19] =	ssyncadd.s32 $0xFFFFC000  }
0x47: {  	[spmem:s1] =	stream.indirect.scatter.add.f32 [tilespmem:s17], [sflag:$0x3], $0x80, s21, s16, $0xb8;
	[tilespmem:$0x1E800] =	vst v63  }
0x48: {  	_ =	swait.ge [sflag:s14], $0x4000  }
0x49: {  	[sflag:s14] =	ssyncset.done $0x0  }
0x4a: {  	[sflag:s14] =	ssyncadd.s32 $0xFFFFC000  }
0x4b: {  	_ =	swait.ge [sflag:s20], $0x4000  }
0x4c: {  	[sflag:s20] =	ssyncset.done $0x0  }
0x4d: {  	[sflag:s20] =	ssyncadd.s32 $0xFFFFC000  }
0x4e: {  	[spmem:s1] =	stream.indirect.scatter.add.f32 [tilespmem:s18], [sflag:$0x3], $0x80, s22, s16, $0xb8;
	[tilespmem:$0x1E800] =	vst v63  }
0x4f: {  	_ =	swait.ge [sflag:s14], $0x4000  }
0x50: {  	[sflag:s14] =	ssyncset.done $0x0  }
0x51: {  	s24 =	simm.s32 $0x0;
	[sflag:s14] =	ssyncadd.s32 $0xFFFFC000  }
0x52: {  	[tilespmem:s24], [sflag:$0x3] =	stream.linear.gather [hbm4b:s9+s24], $0x1400, $0x38;
	[tilespmem:$0x1E800] =	vst v63  }
0x53: {  	_ =	swait.ge [sflag:s14], $0x1400  }
0x54: {  	[sflag:s14] =	ssyncset.done $0x0  }
0x55: {  	[sflag:s14] =	ssyncadd.s32 $0xFFFFEC00  }
0x56: {  	[tilespmem:s15], [sflag:$0x3] =	stream.linear.gather [hbm4b:s10+s24], $0x1400, $0x38;
	[tilespmem:$0x1E800] =	vst v63  }
0x57: {  	_ =	swait.ge [sflag:s14], $0x1400  }
0x58: {  	[sflag:s14] =	ssyncset.done $0x0  }
0x59: {  	[sflag:s14] =	ssyncadd.s32 $0xFFFFEC00  }
0x5a: {  	[tilespmem:s17], [sflag:$0x1] =	stream.indirect.gather [hbm4b:s8+s16], $0x80, s24, s16, $0xb8;
	[tilespmem:$0x1E800] =	vst v63  }
0x5b: {  	_ = 	snop  }
0x5c: {  	[tilespmem:s18], [sflag:$0x2] =	stream.indirect.gather [hbm4b:s8+s16], $0x80, s16, s16, $0xb8;
	[tilespmem:$0x1E800] =	vst v63  }
0x5d: {  	_ =	swait.ge [sflag:s19], $0x4000  }
0x5e: {  	[sflag:s19] =	ssyncset.done $0x0  }
0x5f: {  	s29 =	simm.s32 $0x1400;
	[sflag:s19] =	ssyncadd.s32 $0xFFFFC000  }
0x60: {  	[spmem:s1] =	stream.indirect.scatter.add.f32 [tilespmem:s17], [sflag:$0x3], $0x80, s29, s16, $0xb8;
	[tilespmem:$0x1E800] =	vst v63  }
0x61: {  	_ =	swait.ge [sflag:s14], $0x4000  }
0x62: {  	[sflag:s14] =	ssyncset.done $0x0  }
0x63: {  	s30 =	simm.s32 $0x100;
	[sflag:s14] =	ssyncadd.s32 $0xFFFFC000  }
0x64: {  	[tilespmem:s17], [sflag:$0x1] =	stream.indirect.gather [hbm4b:s8+s16], $0x80, s30, s16, $0xb8;
	[tilespmem:$0x1E800] =	vst v63  }
0x65: {  	_ =	swait.ge [sflag:s20], $0x4000  }
0x66: {  	[sflag:s20] =	ssyncset.done $0x0  }
0x67: {  	s31 =	simm.s32 $0x1480;
	[sflag:s20] =	ssyncadd.s32 $0xFFFFC000  }
0x68: {  	[spmem:s1] =	stream.indirect.scatter.add.f32 [tilespmem:s18], [sflag:$0x3], $0x80, s31, s16, $0xb8;
	[tilespmem:$0x1E800] =	vst v63  }
0x69: {  	_ =	swait.ge [sflag:s14], $0x4000  }
0x6a: {  	[sflag:s14] =	ssyncset.done $0x0  }
0x6b: {  	s25 =	simm.s32 $0x180;
	s24 =	simm.s32 $0x400;
	[sflag:s14] =	ssyncadd.s32 $0xFFFFC000  }
.LBB2_4:
0x6c: {  	[tilespmem:s18], [sflag:$0x2] =	stream.indirect.gather [hbm4b:s8+s16], $0x80, s25, s16, $0xb8;
	[tilespmem:$0x1E800] =	vst v63  }
0x6d: {  	s25 =	smov.u32 s24  }
0x6e: {  	p0 =	sne.s32 s24, $0x4800;
	s24 =	sadd.s32 $0x400, s24;
	_ =	swait.ge [sflag:s19], $0x4000  }
0x6f: {  	s25 =	sshra.s32 s25, $0x2;
	[sflag:s19] =	ssyncset.done $0x0  }
0x70: {  	s26 =	sadd.s32 $0x1400, s25;
	[sflag:s19] =	ssyncadd.s32 $0xFFFFC000  }
0x71: {  	[spmem:s1] =	stream.indirect.scatter.add.f32 [tilespmem:s17], [sflag:$0x3], $0x80, s26, s16, $0xb8;
	[tilespmem:$0x1E800] =	vst v63  }
0x72: {  	_ =	swait.ge [sflag:s14], $0x4000  }
0x73: {  	[sflag:s14] =	ssyncset.done $0x0  }
0x74: {  	s26 =	sadd.s32 $0x100, s25;
	[sflag:s14] =	ssyncadd.s32 $0xFFFFC000  }
0x75: {  	[tilespmem:s17], [sflag:$0x1] =	stream.indirect.gather [hbm4b:s8+s16], $0x80, s26, s16, $0xb8;
	[tilespmem:$0x1E800] =	vst v63  }
0x76: {  	_ =	swait.ge [sflag:s20], $0x4000  }
0x77: {  	[sflag:s20] =	ssyncset.done $0x0  }
.Ltmp1:
0x78: {  	s26 =	sadd.s32 $0x1480, s25;
	[sflag:s20] =	ssyncadd.s32 $0xFFFFC000;
	(pc) =	sbr.rel @p0 .LBB2_4-.Ltmp1, $4  }
0x79: {  	[spmem:s1] =	stream.indirect.scatter.add.f32 [tilespmem:s18], [sflag:$0x3], $0x80, s26, s16, $0xb8;
	[tilespmem:$0x1E800] =	vst v63  }
0x7a: {  	_ =	swait.ge [sflag:s14], $0x4000  }
0x7b: {  	[sflag:s14] =	ssyncset.done $0x0  }
0x7c: {  	s25 =	sadd.s32 $0x180, s25;
	[sflag:s14] =	ssyncadd.s32 $0xFFFFC000  }
0x7d: {  	[tilespmem:s18], [sflag:$0x2] =	stream.indirect.gather [hbm4b:s8+s16], $0x80, s25, s16, $0xb8;
	[tilespmem:$0x1E800] =	vst v63  }
0x7e: {  	_ =	swait.ge [sflag:s19], $0x4000  }
0x7f: {  	[sflag:s19] =	ssyncset.done $0x0  }
0x80: {  	[sflag:s19] =	ssyncadd.s32 $0xFFFFC000  }
0x81: {  	[spmem:s1] =	stream.indirect.scatter.add.f32 [tilespmem:s17], [sflag:$0x3], $0x80, s21, s16, $0xb8;
	[tilespmem:$0x1E800] =	vst v63  }
0x82: {  	_ =	swait.ge [sflag:s14], $0x4000  }
0x83: {  	[sflag:s14] =	ssyncset.done $0x0  }
0x84: {  	[sflag:s14] =	ssyncadd.s32 $0xFFFFC000  }
0x85: {  	_ =	swait.ge [sflag:s20], $0x4000  }
0x86: {  	[sflag:s20] =	ssyncset.done $0x0  }
0x87: {  	[sflag:s20] =	ssyncadd.s32 $0xFFFFC000  }
0x88: {  	[spmem:s1] =	stream.indirect.scatter.add.f32 [tilespmem:s18], [sflag:$0x3], $0x80, s22, s16, $0xb8;
	[tilespmem:$0x1E800] =	vst v63  }
0x89: {  	_ =	swait.ge [sflag:s14], $0x4000  }
0x8a: {  	s23 =	sadd.s32 $0x1, s23;
	[sflag:s14] =	ssyncset.done $0x0  }
0x8b: {  	p0 =	sne.s32 s23, s12;
	[sflag:s14] =	ssyncadd.s32 $0xFFFFC000  }
.Ltmp2:
0x8c: {  	[bflag:$0x0] =	sbarrier.arrive $0xFFFF;
	(pc) =	sbr.rel @p0 .LBB2_1-.Ltmp2, $4  }
0x8d: {  	[hbm:s11], [sflag:s5] =	dma.local [spmem:s13], $0x2800  }
0x8e: {  	_ =	swait.ge [sflag:s14], $0x2800  }
0x8f: {  	[sflag:s14] =	ssyncset.done $0x0  }
0x90: {  	[sflag:s14] =	ssyncadd.s32 $0xFFFFD800  }
0x91: {  	_ =	sfence.sel $0x180000  }
0x92: {  	[bflag:$0x0] =	sbarrier.arrive $0xFFFF  }
0x93: {  	p0 =	sne.s32 s2, $0x0;
	_ =	strace $0x9000004A  }
0x94: {  	s0 =	sadd.s32 @!p0 $0x100000, s0;
	[bflag:$0x2] =	sbarrier.arrive $0xFFFF  }
0x95: {  	[sflag:s0] =	ssyncadd.tile.s32 @!p0 $0x1;
	_ =	shalt  }
.Lfunc_end2:
_tile_overlayer_lowered:
.L_overlay_start_2:
0x96: {  	(tag) =	ssettag $0x2  }
0x97: {  	s0 =	rddreg [dreg:$0x0];
	s2 =	stileid.u32  }
0x98: {  	s1 =	rddreg [dreg:$0x1];
	p0 =	sne.s32 s2, $0x0  }
0x99: {  	s3 =	rddreg [dreg:$0x2];
	[bflag:$0x3] =	sbarrier.arrive $0xFFFF;
	s2 =	simm.s32 @!p0 $0x1C03  }
0x9a: {  	[timem:s3], [sflag:s2] =	dma.local @!p0 [hbm:s0], s1  }
0x9b: {  	s0 =	simm.s32 @!p0 $0x3  }
0x9c: {  	_ =	swait.ge @!p0 [sflag:s0], s1  }
0x9d: {  	s1 =	ssub.s32 @!p0 $0x0, s1;
	[sflag:s0] =	ssyncset.done @!p0 $0x0  }
0x9e: {  	[sflag:s0] =	ssyncadd.s32 @!p0 s1  }
0x9f: {  	[bflag:$0x3] =	sbarrier.arrive $0xFFFF  }
0xa0: {  	_ =	shalt  }

// kernel: kernel.14.cloned.1.call-start
scs
__scs_entry_jumppad:
0x0: {  	(pc) =	sbr.rel $0x88, $3  }
0x1: {  	(tag) =	ssettag $0x0;
	lr =	simm.s32 $0x1  }
0x2: {  	[smem:$0x3F9B] =	sst lr;
	_ =	strace $0xD0000000  }
0x3: {  	_ = 	snop  }
0x4: {  	_ = 	snop  }
0x5: {  	_ = 	snop  }
0x6: {  	_ = 	snop  }
0x7: {  	_ = 	snop  }
__scs_overlays_trampoline_lowered:
0x8: {  	[smem:$0x3FAA] =	sst s0  }
0x9: {  	[smem:$0x3FAB] =	sst s1  }
0xa: {  	[smem:$0x3FAC] =	sst s2  }
0xb: {  	[smem:$0x3FAD] =	sst s3  }
0xc: {  	[smem:$0x3FAE] =	sst s4  }
0xd: {  	[smem:$0x3FAF] =	sst s5  }
0xe: {  	[smem:$0x3FB0] =	sst s6  }
0xf: {  	[smem:$0x3FB1] =	sst s7  }
0x10: {  	[smem:$0x3FB2] =	sst s8  }
0x11: {  	[smem:$0x3FB3] =	sst s9;
	s0 =	simm.s32 @!p0 $0x0  }
0x12: {  	s1 =	sld [smem:$0x3F99];
	s0 =	simm.s32 @p0 $0x1  }
0x13: {  	[smem:$0x3FB4] =	sst s0;
	s0 =	simm.s32 @!p1 $0x0  }
0x14: {  	s2 =	sld [smem:$0x3F98];
	s0 =	simm.s32 @p1 $0x1  }
0x15: {  	[smem:$0x3FB5] =	sst s0;
	s0 =	simm.s32 @!p2 $0x0  }
0x16: {  	s3 =	sld [smem:$0x3FDB];
	s0 =	simm.s32 @p2 $0x1  }
0x17: {  	s4 =	simm.s32 $0x1BF5;
	[smem:$0x3FB7] =	sst s0  }
0x18: {  	s0 =	sld [smem:$0x3F9A];
	_ =	swait.ge [sflag:s4], $0x0  }
0x19: {  	s7 =	sld [smem:$0x3F9B]  }
0x1a: {  	s8 =	sadd.s32 $0xFFFFE003, lr  }
0x1b: {  	s9 =	sadd.s32 $0xFFFFFEF7, lr;
	s5 =	simm.s32 $0xFFFFFFFF;
	p2 =	slt.u32 s8, $0xFFFFF086  }
0x1c: {  	p1 =	slt.u32 s9, $0xF7A;
	s5 =	simm.s32 @!p2 $0x0  }
0x1d: {  	s5 =	simm.s32 @p1 $0x1;
	p0 =	seq.s32 s7, s2  }
0x1e: {  	s7 =	smul.u32 @!p0 $0xF7A, s2;
	p2 =	seq.s32 @!p0 s5, $0x0  }
0x1f: {  	s9 =	smul.u32 $0xF7A, s1;
	s8 =	simm.s32 @!p0 $0x1BF5;
	p2 =	por !p2, p0  }
0x20: {  	[sflag:s8] =	ssyncset.s32 @!p0 $0xFFFFF086;
	s6 =	sadd.s32 @!p0 s3, s7;
	s7 =	simm.s32 @!p0 $0x108  }
0x21: {  	s3 =	sadd.s32 s3, s9;
	s6 =	sadd.s32 @!p0 $0x88, s6;
	s7 =	simm.s32 @p2 $0x1082  }
0x22: {  	[simem:s7], [sflag:s8] =	dma.local @!p0 [hbm:s6], $0xF7A  }
0x23: {  	s9 =	sor.u32 $0xD0000000, s2;
	s6 =	simm.s32 $0x108;
	_ =	swait.ge @!p0 [sflag:s8], $0x0  }
0x24: {  	s3 =	sadd.s32 $0x88, s3;
	s6 =	simm.s32 @!p1 $0x1082;
	[sflag:s4] =	ssyncset.s32 $0xFFFFF086  }
0x25: {  	[simem:s6], [sflag:s4] =	dma.local [hbm:s3], $0xF7A  }
0x26: {  	[smem:$0x3F9B] =	sst s1;
	(tag) =	ssettag s2;
	_ =	strace s9  }
0x27: {  	s1 =	sld [smem:$0x3FAB]  }
0x28: {  	s2 =	sld [smem:$0x3FAC]  }
0x29: {  	s4 =	sld [smem:$0x3FAE]  }
0x2a: {  	p0 =	seq.s32 s5, $0x0;
	s5 =	sld [smem:$0x3FAF]  }
0x2b: {  	s6 =	sld [smem:$0x3FB0]  }
0x2c: {  	s7 =	sld [smem:$0x3FB1]  }
0x2d: {  	s3 =	simm.s32 $0x108;
	s8 =	sld [smem:$0x3FB2]  }
0x2e: {  	s3 =	simm.s32 @!p0 $0x1082;
	s9 =	sld [smem:$0x3FB3]  }
0x2f: {  	lr =	sadd.s32 s0, s3;
	s0 =	sld [smem:$0x3FAA]  }
0x30: {  	s3 =	sld [smem:$0x3FAD]  }
0x31: {  	[smem:$0x3FB6] =	sst s10  }
0x32: {  	s10 =	sld [smem:$0x3FB4];
	_ =	sdelay $0x3  }
0x33: {  	p0 =	seq.s32 s10, $0x1;
	s10 =	sld [smem:$0x3FB6];
	_ =	sdelay $0x3  }
0x34: {  	[smem:$0x3FB6] =	sst s10  }
0x35: {  	s10 =	sld [smem:$0x3FB5];
	_ =	sdelay $0x3  }
0x36: {  	p1 =	seq.s32 s10, $0x1;
	s10 =	sld [smem:$0x3FB6];
	_ =	sdelay $0x3  }
0x37: {  	[smem:$0x3FB6] =	sst s10  }
0x38: {  	s10 =	sld [smem:$0x3FB7]  }
0x39: {  	_ = 	snop;
	(pc) =	sbr.ind lr, $3  }
0x3a: {  	_ = 	snop  }
0x3b: {  	_ = 	snop  }
0x3c: {  	p2 =	seq.s32 s10, $0x1;
	s10 =	sld [smem:$0x3FB6]  }
0x3d: {  	_ =	shalt  }
0x3e: {  	_ =	shalt  }
0x3f: {  	_ =	shalt  }
0x40: {  	_ =	shalt  }
0x41: {  	_ =	shalt  }
0x42: {  	_ =	shalt  }
0x43: {  	_ =	shalt  }
0x44: {  	_ =	shalt  }
0x45: {  	_ =	shalt  }
0x46: {  	_ =	shalt  }
0x47: {  	_ =	shalt  }
0x48: {  	_ =	shalt  }
0x49: {  	_ =	shalt  }
0x4a: {  	_ =	shalt  }
0x4b: {  	_ =	shalt  }
0x4c: {  	_ =	shalt  }
0x4d: {  	_ =	shalt  }
0x4e: {  	_ =	shalt  }
0x4f: {  	_ =	shalt  }
0x50: {  	_ =	shalt  }
0x51: {  	_ =	shalt  }
0x52: {  	_ =	shalt  }
0x53: {  	_ =	shalt  }
0x54: {  	_ =	shalt  }
0x55: {  	_ =	shalt  }
0x56: {  	_ =	shalt  }
0x57: {  	_ =	shalt  }
0x58: {  	_ =	shalt  }
0x59: {  	_ =	shalt  }
0x5a: {  	_ =	shalt  }
0x5b: {  	_ =	shalt  }
0x5c: {  	_ =	shalt  }
0x5d: {  	_ =	shalt  }
0x5e: {  	_ =	shalt  }
0x5f: {  	_ =	shalt  }
0x60: {  	_ =	shalt  }
0x61: {  	_ =	shalt  }
0x62: {  	_ =	shalt  }
0x63: {  	_ =	shalt  }
0x64: {  	_ =	shalt  }
0x65: {  	_ =	shalt  }
0x66: {  	_ =	shalt  }
0x67: {  	_ =	shalt  }
0x68: {  	_ =	shalt  }
0x69: {  	_ =	shalt  }
0x6a: {  	_ =	shalt  }
0x6b: {  	_ =	shalt  }
0x6c: {  	_ =	shalt  }
0x6d: {  	_ =	shalt  }
0x6e: {  	_ =	shalt  }
0x6f: {  	_ =	shalt  }
0x70: {  	_ =	shalt  }
0x71: {  	_ =	shalt  }
0x72: {  	_ =	shalt  }
0x73: {  	_ =	shalt  }
0x74: {  	_ =	shalt  }
0x75: {  	_ =	shalt  }
0x76: {  	_ =	shalt  }
0x77: {  	_ =	shalt  }
0x78: {  	_ =	shalt  }
0x79: {  	_ =	shalt  }
0x7a: {  	_ =	shalt  }
0x7b: {  	_ =	shalt  }
0x7c: {  	_ =	shalt  }
0x7d: {  	_ =	shalt  }
0x7e: {  	_ =	shalt  }
0x7f: {  	_ =	shalt  }
0x80: {  	_ =	shalt  }
0x81: {  	_ =	shalt  }
0x82: {  	_ =	shalt  }
0x83: {  	_ =	shalt  }
0x84: {  	_ =	shalt  }
0x85: {  	_ =	shalt  }
0x86: {  	_ =	shalt  }
0x87: {  	_ =	shalt  }
.Lfunc_end0:
.L_simem_size_0:
called_computation.2_lowered:
.L_overlay_start_0:
0x88: {  	s2 =	sld [smem:$0x3FD9]  }
0x89: {  	s3 =	sld [smem:$0x3FFE];
	_ =	sdelay $0x1  }
0x8a: {  	s1 =	srdreg.scid  }
0x8b: {  	s0 =	sand.u32 $0x1, s1  }
0x8c: {  	s16 =	sshll.u32 s0, $0xA;
	s2 =	sadd.s32 s3, s2  }
0x8d: {  	s2 =	sadd.s32 s2, s16  }
0x8e: {  	[smem:$0x3FC2] =	sst s2  }
0x8f: {  	_ = 	snop  }
0x90: {  	(tm) =	ssettm $0x1  }
0x91: {  	s17 =	sld [smem:$0x3FFB];
	_ =	sdelay $0x3  }
0x92: {  	_ =	strace s17  }
0x93: {  	s2 =	sld [smem:$0x3FFC];
	_ =	sdelay $0x3  }
0x94: {  	_ =	strace s2  }
0x95: {  	s2 =	sld [smem:$0x3FFD];
	_ =	sdelay $0x3  }
0x96: {  	_ =	strace s2  }
0x97: {  	_ =	strace $0x8FFFFFFF  }
0x98: {  	s18 =	sld [smem:$0x3FDB];
	_ =	sdelay $0x1  }
0x99: {  	s19 =	simm.s32 $_scs_section_size  }
0x9a: {  	s4 =	simm.s32 $_size__tile_overlayer_lowered;
	s5 =	simm.s32 $_tile_overlayer_lowered  }
0x9b: {  	s22 =	simm.s32 $0x1BFF;
	s21 =	sshll.u32 s5, $0x1;
	s2 =	sadd.s32 s19, s18  }
0x9c: {  	s6 =	simm.s32 $0x0;
	s20 =	sshll.u32 s4, $0x1;
	s4 =	sadd.s32 s21, s2  }
0x9d: {  	[timem:s6], [sflag:s22] =	dma.local [hbm:s4], s20  }
0x9e: {  	_ =	swait.ge [sflag:s22], s20  }
0x9f: {  	s3 =	ssub.s32 $0x0, s20;
	[sflag:s22] =	ssyncset.done $0x0  }
0xa0: {  	[sflag:s22] =	ssyncadd.s32 s3;
	_ =	sdelay $0x1  }
0xa1: {  	s23 =	simm.s32 $0x1B8B  }
0xa2: {  	_ =	swait.ge [sflag:s23], $0x1  }
0xa3: {  	[sflag:s23] =	ssyncset.done $0x0  }
0xa4: {  	s25 =	simm.s32 $0x1B8E;
	s24 =	sld [smem:$0x3FFE];
	[sflag:s23] =	ssyncadd.s32 $0xFFFFFFFF  }
0xa5: {  	s26 =	simm.s32 $execute0_lowered;
	[smem:$0x3FD2] =	sst s25  }
0xa6: {  	s4 =	sshll.u32 s26, $0x1;
	_ =	strace $0x8000004C;
	[dreg:$0x1] =	wrdreg $0xFFFFFFFF  }
0xa7: {  	s28 =	simm.s32 $_size_execute0_lowered;
	s2 =	sadd.s32 s2, s4;
	[dreg:$0x0] =	wrdreg $0x0  }
0xa8: {  	s4 =	sshll.u32 s28, $0x1;
	[dreg:$0x2] =	wrdreg s2  }
0xa9: {  	[dreg:$0x3] =	wrdreg s4  }
0xaa: {  	[dreg:$0x4] =	wrdreg $0xC0  }
0xab: {  	_ =	task [dreg:s6], $0x5FFFF  }
0xac: {  	[dreg:$0x1] =	wrdreg $0xFFFFFFFF  }
0xad: {  	[dreg:$0x0] =	wrdreg $0x60  }
0xae: {  	[dreg:$0x2] =	wrdreg s24  }
0xaf: {  	[dreg:$0x3] =	wrdreg $0xA8000  }
0xb0: {  	[dreg:$0x4] =	wrdreg $0x9  }
0xb1: {  	_ =	task.clear_ibuf [dreg:s6], $0x5FFFF;
	_ =	strace $0x9000004C  }
0xb2: {  	s29 =	simm.s32 $0x9;
	_ =	strace $0x8000004E  }
0xb3: {  	_ =	swait.ge [sflag:s29], $0x1  }
0xb4: {  	[sflag:s29] =	ssyncadd.s32 $0xFFFFFFFF  }
0xb5: {  	_ =	strace $0x9000004E  }
0xb6: {  	_ =	sfence  }
0xb7: {  	s30 =	sld [smem:$0x0];
	_ =	sdelay $0x2  }
0xb8: {  	s31 =	sshll.u32 s1, $0xD;
	s1 =	sshrl.u32 s1, $0x2  }
0xb9: {  	s3 =	sand.u32 $0x4000, s31;
	s1 =	sadd.s32 s1, s30  }
0xba: {  	s0 =	sor.u32 s3, s0;
	s1 =	sshll.u32 s1, $0x11  }
0xbb: {  	s0 =	sor.u32 s1, s0  }
0xbc: {  	s0 =	sadd.s32 $0x8F2B, s0  }
0xbd: {  	[sflag:s0] =	ssyncadd.remote.s32 $0x1  }
0xbe: {  	_ =	sfence.sel $0xFFFF  }
0xbf: {  	[dreg:$0x0] =	wrdreg $0xFFFFFFFF;
	(pc) =	sbr.abs _section_cstart, $3  }
0xc0: {  	[dreg:$0x1] =	wrdreg $0xFFFFFFFF  }
0xc1: {  	_ =	task.clear_ibuf [dreg:s6], $0x2FFFF;
	_ =	strace $0x9FFFFFFF  }
0xc2: {  	(tm) =	ssettm $0x7FFFFFFF  }
0xc3: {  	_ =	shalt  }
tec
execute0_lowered:
.L_overlay_start_1:
0x0: {  	(tag) =	ssettag $0x1  }
0x1: {  	s4 =	rddreg [dreg:$0x0]  }
0x2: {  	s1 =	rddreg [dreg:$0x1]  }
0x3: {  	s2 =	srdreg.scid;
	s0 =	rddreg [dreg:$0x2]  }
0x4: {  	s3 =	simm.s32 $0x0;
	s17 =	simm.s32 $0x2800;
	s18 =	simm.s32 $0x6800  }
0x5: {  	s19 =	simm.s32 $0x1;
	s20 =	simm.s32 $0x2;
	s21 =	simm.s32 $0x2700  }
0x6: {  	s22 =	simm.s32 $0x2780;
	s5 =	sand.u32 $0x1, s2;
	s2 =	stileid.u32  }
0x7: {  	s23 =	simm.s32 $0x0;
	[smem:$0x7FF] =	sst s3;
	s7 =	smul.u32 $0x140000, s5  }
0x8: {  	s8 =	sadd.s32 $0xC600, s4;
	s9 =	sadd.s32 $0x2600, s4;
	s6 =	smul.u32 $0x14000, s2  }
0x9: {  	s10 =	sadd.s32 $0x7600, s4;
	_ =	strace $0x8000004D;
	s12 =	smul.u32 $0x50000, s2  }
0xa: {  	s5 =	ssub.s32 $0x2, s5;
	s26 =	smul.u32 $0x500, s2;
	s29 =	sshll.u32 s2, $0x6  }
0xb: {  	s30 =	smul.u32 $0x2800, s2;
	s11 =	sshrl.u32 s5, $0x1;
	s6 =	sadd.s32 s6, s7  }
0xc: {  	s14 =	ssub.s32 s5, s11;
	s28 =	sshrl.u32 s12, $0x2;
	s5 =	sor.u32 $0x1C03, s29  }
0xd: {  	s16 =	sshrl.u32 s7, $0x3;
	s12 =	sshrl.u32 s30, $0x3;
	s7 =	sadd.s32 s10, s26  }
0xe: {  	s6 =	sshrl.u32 s6, $0x3;
	s15 =	sadd.s32 s28, s1;
	s31 =	sadd.s32 $0x280, s12  }
0xf: {  	s12 =	smax.u32 s14, $0x1;
	s14 =	simm.s32 $0x3;
	s13 =	sadd.s32 s6, s4  }
0x10: {  	s4 =	sadd.s32 s8, s6;
	s6 =	sadd.s32 s9, s26;
	s8 =	sadd.s32 s8, s16  }
0x11: {  	s9 =	sadd.s32 s9, s31;
	s10 =	sadd.s32 s10, s31;
	s16 =	simm.s32 $0x80  }
0x12: {  	s11 =	sadd.s32 $0x5C600, s13;
	s13 =	sshrl.u32 s15, $0x3;
	s15 =	simm.s32 $0x1400  }
.LBB2_1:
0x13: {  	[spmem:s13], [sflag:s5] =	dma.local [hbm:s4], $0x2800  }
0x14: {  	_ =	swait.ge [sflag:s14], $0x2800  }
0x15: {  	[sflag:s14] =	ssyncset.done $0x0  }
0x16: {  	[sflag:s14] =	ssyncadd.s32 $0xFFFFD800  }
0x17: {  	[bflag:$0x0] =	sbarrier.arrive $0xFFFF  }
0x18: {  	[tilespmem:s3], [sflag:$0x3] =	stream.linear.gather [hbm4b:s6+s3], $0x1400, $0x38;
	[tilespmem:$0x1E800] =	vst v63  }
0x19: {  	_ =	swait.ge [sflag:s14], $0x1400  }
0x1a: {  	[sflag:s14] =	ssyncset.done $0x0  }
0x1b: {  	[sflag:s14] =	ssyncadd.s32 $0xFFFFEC00  }
0x1c: {  	[tilespmem:s15], [sflag:$0x3] =	stream.linear.gather [hbm4b:s7+s3], $0x1400, $0x38;
	[tilespmem:$0x1E800] =	vst v63  }
0x1d: {  	_ =	swait.ge [sflag:s14], $0x1400  }
0x1e: {  	[sflag:s14] =	ssyncset.done $0x0  }
0x1f: {  	[sflag:s14] =	ssyncadd.s32 $0xFFFFEC00  }
0x20: {  	[tilespmem:s17], [sflag:$0x1] =	stream.indirect.gather [hbm4b:s8+s16], $0x80, s3, s16, $0xb8;
	[tilespmem:$0x1E800] =	vst v63  }
0x21: {  	_ = 	snop  }
0x22: {  	[tilespmem:s18], [sflag:$0x2] =	stream.indirect.gather [hbm4b:s8+s16], $0x80, s16, s16, $0xb8;
	[tilespmem:$0x1E800] =	vst v63  }
0x23: {  	_ =	swait.ge [sflag:s19], $0x4000  }
0x24: {  	[sflag:s19] =	ssyncset.done $0x0  }
0x25: {  	s24 =	simm.s32 $0x1400;
	[sflag:s19] =	ssyncadd.s32 $0xFFFFC000  }
0x26: {  	[spmem:s1] =	stream.indirect.scatter.add.f32 [tilespmem:s17], [sflag:$0x3], $0x80, s24, s16, $0xb8;
	[tilespmem:$0x1E800] =	vst v63  }
0x27: {  	_ =	swait.ge [sflag:s14], $0x4000  }
0x28: {  	[sflag:s14] =	ssyncset.done $0x0  }
0x29: {  	s30 =	simm.s32 $0x100;
	[sflag:s14] =	ssyncadd.s32 $0xFFFFC000  }
0x2a: {  	[tilespmem:s17], [sflag:$0x1] =	stream.indirect.gather [hbm4b:s8+s16], $0x80, s30, s16, $0xb8;
	[tilespmem:$0x1E800] =	vst v63  }
0x2b: {  	_ =	swait.ge [sflag:s20], $0x4000  }
0x2c: {  	[sflag:s20] =	ssyncset.done $0x0  }
0x2d: {  	s31 =	simm.s32 $0x1480;
	[sflag:s20] =	ssyncadd.s32 $0xFFFFC000  }
0x2e: {  	[spmem:s1] =	stream.indirect.scatter.add.f32 [tilespmem:s18], [sflag:$0x3], $0x80, s31, s16, $0xb8;
	[tilespmem:$0x1E800] =	vst v63  }
0x2f: {  	_ =	swait.ge [sflag:s14], $0x4000  }
0x30: {  	[sflag:s14] =	ssyncset.done $0x0  }
0x31: {  	s25 =	simm.s32 $0x180;
	s24 =	simm.s32 $0x400;
	[sflag:s14] =	ssyncadd.s32 $0xFFFFC000  }
.LBB2_2:
0x32: {  	[tilespmem:s18], [sflag:$0x2] =	stream.indirect.gather [hbm4b:s8+s16], $0x80, s25, s16, $0xb8;
	[tilespmem:$0x1E800] =	vst v63  }
0x33: {  	s25 =	smov.u32 s24  }
0x34: {  	p0 =	sne.s32 s24, $0x4800;
	s24 =	sadd.s32 $0x400, s24;
	_ =	swait.ge [sflag:s19], $0x4000  }
0x35: {  	s25 =	sshra.s32 s25, $0x2;
	[sflag:s19] =	ssyncset.done $0x0  }
0x36: {  	s26 =	sadd.s32 $0x1400, s25;
	[sflag:s19] =	ssyncadd.s32 $0xFFFFC000  }
0x37: {  	[spmem:s1] =	stream.indirect.scatter.add.f32 [tilespmem:s17], [sflag:$0x3], $0x80, s26, s16, $0xb8;
	[tilespmem:$0x1E800] =	vst v63  }
0x38: {  	_ =	swait.ge [sflag:s14], $0x4000  }
0x39: {  	[sflag:s14] =	ssyncset.done $0x0  }
0x3a: {  	s26 =	sadd.s32 $0x100, s25;
	[sflag:s14] =	ssyncadd.s32 $0xFFFFC000  }
0x3b: {  	[tilespmem:s17], [sflag:$0x1] =	stream.indirect.gather [hbm4b:s8+s16], $0x80, s26, s16, $0xb8;
	[tilespmem:$0x1E800] =	vst v63  }
0x3c: {  	_ =	swait.ge [sflag:s20], $0x4000  }
0x3d: {  	[sflag:s20] =	ssyncset.done $0x0  }
.Ltmp0:
0x3e: {  	s26 =	sadd.s32 $0x1480, s25;
	[sflag:s20] =	ssyncadd.s32 $0xFFFFC000;
	(pc) =	sbr.rel @p0 .LBB2_2-.Ltmp0, $4  }
0x3f: {  	[spmem:s1] =	stream.indirect.scatter.add.f32 [tilespmem:s18], [sflag:$0x3], $0x80, s26, s16, $0xb8;
	[tilespmem:$0x1E800] =	vst v63  }
0x40: {  	_ =	swait.ge [sflag:s14], $0x4000  }
0x41: {  	[sflag:s14] =	ssyncset.done $0x0  }
0x42: {  	s25 =	sadd.s32 $0x180, s25;
	[sflag:s14] =	ssyncadd.s32 $0xFFFFC000  }
0x43: {  	[tilespmem:s18], [sflag:$0x2] =	stream.indirect.gather [hbm4b:s8+s16], $0x80, s25, s16, $0xb8;
	[tilespmem:$0x1E800] =	vst v63  }
0x44: {  	_ =	swait.ge [sflag:s19], $0x4000  }
0x45: {  	[sflag:s19] =	ssyncset.done $0x0  }
0x46: {  	[sflag:s19] =	ssyncadd.s32 $0xFFFFC000  }
0x47: {  	[spmem:s1] =	stream.indirect.scatter.add.f32 [tilespmem:s17], [sflag:$0x3], $0x80, s21, s16, $0xb8;
	[tilespmem:$0x1E800] =	vst v63  }
0x48: {  	_ =	swait.ge [sflag:s14], $0x4000  }
0x49: {  	[sflag:s14] =	ssyncset.done $0x0  }
0x4a: {  	[sflag:s14] =	ssyncadd.s32 $0xFFFFC000  }
0x4b: {  	_ =	swait.ge [sflag:s20], $0x4000  }
0x4c: {  	[sflag:s20] =	ssyncset.done $0x0  }
0x4d: {  	[sflag:s20] =	ssyncadd.s32 $0xFFFFC000  }
0x4e: {  	[spmem:s1] =	stream.indirect.scatter.add.f32 [tilespmem:s18], [sflag:$0x3], $0x80, s22, s16, $0xb8;
	[tilespmem:$0x1E800] =	vst v63  }
0x4f: {  	_ =	swait.ge [sflag:s14], $0x4000  }
0x50: {  	[sflag:s14] =	ssyncset.done $0x0  }
0x51: {  	s24 =	simm.s32 $0x0;
	[sflag:s14] =	ssyncadd.s32 $0xFFFFC000  }
0x52: {  	[tilespmem:s24], [sflag:$0x3] =	stream.linear.gather [hbm4b:s9+s24], $0x1400, $0x38;
	[tilespmem:$0x1E800] =	vst v63  }
0x53: {  	_ =	swait.ge [sflag:s14], $0x1400  }
0x54: {  	[sflag:s14] =	ssyncset.done $0x0  }
0x55: {  	[sflag:s14] =	ssyncadd.s32 $0xFFFFEC00  }
0x56: {  	[tilespmem:s15], [sflag:$0x3] =	stream.linear.gather [hbm4b:s10+s24], $0x1400, $0x38;
	[tilespmem:$0x1E800] =	vst v63  }
0x57: {  	_ =	swait.ge [sflag:s14], $0x1400  }
0x58: {  	[sflag:s14] =	ssyncset.done $0x0  }
0x59: {  	[sflag:s14] =	ssyncadd.s32 $0xFFFFEC00  }
0x5a: {  	[tilespmem:s17], [sflag:$0x1] =	stream.indirect.gather [hbm4b:s8+s16], $0x80, s24, s16, $0xb8;
	[tilespmem:$0x1E800] =	vst v63  }
0x5b: {  	_ = 	snop  }
0x5c: {  	[tilespmem:s18], [sflag:$0x2] =	stream.indirect.gather [hbm4b:s8+s16], $0x80, s16, s16, $0xb8;
	[tilespmem:$0x1E800] =	vst v63  }
0x5d: {  	_ =	swait.ge [sflag:s19], $0x4000  }
0x5e: {  	[sflag:s19] =	ssyncset.done $0x0  }
0x5f: {  	s29 =	simm.s32 $0x1400;
	[sflag:s19] =	ssyncadd.s32 $0xFFFFC000  }
0x60: {  	[spmem:s1] =	stream.indirect.scatter.add.f32 [tilespmem:s17], [sflag:$0x3], $0x80, s29, s16, $0xb8;
	[tilespmem:$0x1E800] =	vst v63  }
0x61: {  	_ =	swait.ge [sflag:s14], $0x4000  }
0x62: {  	[sflag:s14] =	ssyncset.done $0x0  }
0x63: {  	s30 =	simm.s32 $0x100;
	[sflag:s14] =	ssyncadd.s32 $0xFFFFC000  }
0x64: {  	[tilespmem:s17], [sflag:$0x1] =	stream.indirect.gather [hbm4b:s8+s16], $0x80, s30, s16, $0xb8;
	[tilespmem:$0x1E800] =	vst v63  }
0x65: {  	_ =	swait.ge [sflag:s20], $0x4000  }
0x66: {  	[sflag:s20] =	ssyncset.done $0x0  }
0x67: {  	s31 =	simm.s32 $0x1480;
	[sflag:s20] =	ssyncadd.s32 $0xFFFFC000  }
0x68: {  	[spmem:s1] =	stream.indirect.scatter.add.f32 [tilespmem:s18], [sflag:$0x3], $0x80, s31, s16, $0xb8;
	[tilespmem:$0x1E800] =	vst v63  }
0x69: {  	_ =	swait.ge [sflag:s14], $0x4000  }
0x6a: {  	[sflag:s14] =	ssyncset.done $0x0  }
0x6b: {  	s25 =	simm.s32 $0x180;
	s24 =	simm.s32 $0x400;
	[sflag:s14] =	ssyncadd.s32 $0xFFFFC000  }
.LBB2_4:
0x6c: {  	[tilespmem:s18], [sflag:$0x2] =	stream.indirect.gather [hbm4b:s8+s16], $0x80, s25, s16, $0xb8;
	[tilespmem:$0x1E800] =	vst v63  }
0x6d: {  	s25 =	smov.u32 s24  }
0x6e: {  	p0 =	sne.s32 s24, $0x4800;
	s24 =	sadd.s32 $0x400, s24;
	_ =	swait.ge [sflag:s19], $0x4000  }
0x6f: {  	s25 =	sshra.s32 s25, $0x2;
	[sflag:s19] =	ssyncset.done $0x0  }
0x70: {  	s26 =	sadd.s32 $0x1400, s25;
	[sflag:s19] =	ssyncadd.s32 $0xFFFFC000  }
0x71: {  	[spmem:s1] =	stream.indirect.scatter.add.f32 [tilespmem:s17], [sflag:$0x3], $0x80, s26, s16, $0xb8;
	[tilespmem:$0x1E800] =	vst v63  }
0x72: {  	_ =	swait.ge [sflag:s14], $0x4000  }
0x73: {  	[sflag:s14] =	ssyncset.done $0x0  }
0x74: {  	s26 =	sadd.s32 $0x100, s25;
	[sflag:s14] =	ssyncadd.s32 $0xFFFFC000  }
0x75: {  	[tilespmem:s17], [sflag:$0x1] =	stream.indirect.gather [hbm4b:s8+s16], $0x80, s26, s16, $0xb8;
	[tilespmem:$0x1E800] =	vst v63  }
0x76: {  	_ =	swait.ge [sflag:s20], $0x4000  }
0x77: {  	[sflag:s20] =	ssyncset.done $0x0  }
.Ltmp1:
0x78: {  	s26 =	sadd.s32 $0x1480, s25;
	[sflag:s20] =	ssyncadd.s32 $0xFFFFC000;
	(pc) =	sbr.rel @p0 .LBB2_4-.Ltmp1, $4  }
0x79: {  	[spmem:s1] =	stream.indirect.scatter.add.f32 [tilespmem:s18], [sflag:$0x3], $0x80, s26, s16, $0xb8;
	[tilespmem:$0x1E800] =	vst v63  }
0x7a: {  	_ =	swait.ge [sflag:s14], $0x4000  }
0x7b: {  	[sflag:s14] =	ssyncset.done $0x0  }
0x7c: {  	s25 =	sadd.s32 $0x180, s25;
	[sflag:s14] =	ssyncadd.s32 $0xFFFFC000  }
0x7d: {  	[tilespmem:s18], [sflag:$0x2] =	stream.indirect.gather [hbm4b:s8+s16], $0x80, s25, s16, $0xb8;
	[tilespmem:$0x1E800] =	vst v63  }
0x7e: {  	_ =	swait.ge [sflag:s19], $0x4000  }
0x7f: {  	[sflag:s19] =	ssyncset.done $0x0  }
0x80: {  	[sflag:s19] =	ssyncadd.s32 $0xFFFFC000  }
0x81: {  	[spmem:s1] =	stream.indirect.scatter.add.f32 [tilespmem:s17], [sflag:$0x3], $0x80, s21, s16, $0xb8;
	[tilespmem:$0x1E800] =	vst v63  }
0x82: {  	_ =	swait.ge [sflag:s14], $0x4000  }
0x83: {  	[sflag:s14] =	ssyncset.done $0x0  }
0x84: {  	[sflag:s14] =	ssyncadd.s32 $0xFFFFC000  }
0x85: {  	_ =	swait.ge [sflag:s20], $0x4000  }
0x86: {  	[sflag:s20] =	ssyncset.done $0x0  }
0x87: {  	[sflag:s20] =	ssyncadd.s32 $0xFFFFC000  }
0x88: {  	[spmem:s1] =	stream.indirect.scatter.add.f32 [tilespmem:s18], [sflag:$0x3], $0x80, s22, s16, $0xb8;
	[tilespmem:$0x1E800] =	vst v63  }
0x89: {  	_ =	swait.ge [sflag:s14], $0x4000  }
0x8a: {  	s23 =	sadd.s32 $0x1, s23;
	[sflag:s14] =	ssyncset.done $0x0  }
0x8b: {  	p0 =	sne.s32 s23, s12;
	[sflag:s14] =	ssyncadd.s32 $0xFFFFC000  }
.Ltmp2:
0x8c: {  	[bflag:$0x0] =	sbarrier.arrive $0xFFFF;
	(pc) =	sbr.rel @p0 .LBB2_1-.Ltmp2, $4  }
0x8d: {  	[hbm:s11], [sflag:s5] =	dma.local [spmem:s13], $0x2800  }
0x8e: {  	_ =	swait.ge [sflag:s14], $0x2800  }
0x8f: {  	[sflag:s14] =	ssyncset.done $0x0  }
0x90: {  	[sflag:s14] =	ssyncadd.s32 $0xFFFFD800  }
0x91: {  	_ =	sfence.sel $0x180000  }
0x92: {  	[bflag:$0x0] =	sbarrier.arrive $0xFFFF  }
0x93: {  	p0 =	sne.s32 s2, $0x0;
	_ =	strace $0x9000004D  }
0x94: {  	s0 =	sadd.s32 @!p0 $0x100000, s0;
	[bflag:$0x2] =	sbarrier.arrive $0xFFFF  }
0x95: {  	[sflag:s0] =	ssyncadd.tile.s32 @!p0 $0x1;
	_ =	shalt  }
.Lfunc_end2:
_tile_overlayer_lowered:
.L_overlay_start_2:
0x96: {  	(tag) =	ssettag $0x2  }
0x97: {  	s0 =	rddreg [dreg:$0x0];
	s2 =	stileid.u32  }
0x98: {  	s1 =	rddreg [dreg:$0x1];
	p0 =	sne.s32 s2, $0x0  }
0x99: {  	s3 =	rddreg [dreg:$0x2];
	[bflag:$0x3] =	sbarrier.arrive $0xFFFF;
	s2 =	simm.s32 @!p0 $0x1C03  }
0x9a: {  	[timem:s3], [sflag:s2] =	dma.local @!p0 [hbm:s0], s1  }
0x9b: {  	s0 =	simm.s32 @!p0 $0x3  }
0x9c: {  	_ =	swait.ge @!p0 [sflag:s0], s1  }
0x9d: {  	s1 =	ssub.s32 @!p0 $0x0, s1;
	[sflag:s0] =	ssyncset.done @!p0 $0x0  }
0x9e: {  	[sflag:s0] =	ssyncadd.s32 @!p0 s1  }
0x9f: {  	[bflag:$0x3] =	sbarrier.arrive $0xFFFF  }
0xa0: {  	_ =	shalt  }

// kernel: kernel.8.cloned.1.call-start
scs
__scs_entry_jumppad:
0x0: {  	(pc) =	sbr.rel $0x88, $3  }
0x1: {  	(tag) =	ssettag $0x0;
	lr =	simm.s32 $0x1  }
0x2: {  	[smem:$0x3F9B] =	sst lr;
	_ =	strace $0xD0000000  }
0x3: {  	_ = 	snop  }
0x4: {  	_ = 	snop  }
0x5: {  	_ = 	snop  }
0x6: {  	_ = 	snop  }
0x7: {  	_ = 	snop  }
__scs_overlays_trampoline_lowered:
0x8: {  	[smem:$0x3FAA] =	sst s0  }
0x9: {  	[smem:$0x3FAB] =	sst s1  }
0xa: {  	[smem:$0x3FAC] =	sst s2  }
0xb: {  	[smem:$0x3FAD] =	sst s3  }
0xc: {  	[smem:$0x3FAE] =	sst s4  }
0xd: {  	[smem:$0x3FAF] =	sst s5  }
0xe: {  	[smem:$0x3FB0] =	sst s6  }
0xf: {  	[smem:$0x3FB1] =	sst s7  }
0x10: {  	[smem:$0x3FB2] =	sst s8  }
0x11: {  	[smem:$0x3FB3] =	sst s9;
	s0 =	simm.s32 @!p0 $0x0  }
0x12: {  	s1 =	sld [smem:$0x3F99];
	s0 =	simm.s32 @p0 $0x1  }
0x13: {  	[smem:$0x3FB4] =	sst s0;
	s0 =	simm.s32 @!p1 $0x0  }
0x14: {  	s2 =	sld [smem:$0x3F98];
	s0 =	simm.s32 @p1 $0x1  }
0x15: {  	[smem:$0x3FB5] =	sst s0;
	s0 =	simm.s32 @!p2 $0x0  }
0x16: {  	s3 =	sld [smem:$0x3FDB];
	s0 =	simm.s32 @p2 $0x1  }
0x17: {  	s4 =	simm.s32 $0x1BF5;
	[smem:$0x3FB7] =	sst s0  }
0x18: {  	s0 =	sld [smem:$0x3F9A];
	_ =	swait.ge [sflag:s4], $0x0  }
0x19: {  	s7 =	sld [smem:$0x3F9B]  }
0x1a: {  	s8 =	sadd.s32 $0xFFFFE003, lr  }
0x1b: {  	s9 =	sadd.s32 $0xFFFFFEF7, lr;
	s5 =	simm.s32 $0xFFFFFFFF;
	p2 =	slt.u32 s8, $0xFFFFF086  }
0x1c: {  	p1 =	slt.u32 s9, $0xF7A;
	s5 =	simm.s32 @!p2 $0x0  }
0x1d: {  	s5 =	simm.s32 @p1 $0x1;
	p0 =	seq.s32 s7, s2  }
0x1e: {  	s7 =	smul.u32 @!p0 $0xF7A, s2;
	p2 =	seq.s32 @!p0 s5, $0x0  }
0x1f: {  	s9 =	smul.u32 $0xF7A, s1;
	s8 =	simm.s32 @!p0 $0x1BF5;
	p2 =	por !p2, p0  }
0x20: {  	[sflag:s8] =	ssyncset.s32 @!p0 $0xFFFFF086;
	s6 =	sadd.s32 @!p0 s3, s7;
	s7 =	simm.s32 @!p0 $0x108  }
0x21: {  	s3 =	sadd.s32 s3, s9;
	s6 =	sadd.s32 @!p0 $0x88, s6;
	s7 =	simm.s32 @p2 $0x1082  }
0x22: {  	[simem:s7], [sflag:s8] =	dma.local @!p0 [hbm:s6], $0xF7A  }
0x23: {  	s9 =	sor.u32 $0xD0000000, s2;
	s6 =	simm.s32 $0x108;
	_ =	swait.ge @!p0 [sflag:s8], $0x0  }
0x24: {  	s3 =	sadd.s32 $0x88, s3;
	s6 =	simm.s32 @!p1 $0x1082;
	[sflag:s4] =	ssyncset.s32 $0xFFFFF086  }
0x25: {  	[simem:s6], [sflag:s4] =	dma.local [hbm:s3], $0xF7A  }
0x26: {  	[smem:$0x3F9B] =	sst s1;
	(tag) =	ssettag s2;
	_ =	strace s9  }
0x27: {  	s1 =	sld [smem:$0x3FAB]  }
0x28: {  	s2 =	sld [smem:$0x3FAC]  }
0x29: {  	s4 =	sld [smem:$0x3FAE]  }
0x2a: {  	p0 =	seq.s32 s5, $0x0;
	s5 =	sld [smem:$0x3FAF]  }
0x2b: {  	s6 =	sld [smem:$0x3FB0]  }
0x2c: {  	s7 =	sld [smem:$0x3FB1]  }
0x2d: {  	s3 =	simm.s32 $0x108;
	s8 =	sld [smem:$0x3FB2]  }
0x2e: {  	s3 =	simm.s32 @!p0 $0x1082;
	s9 =	sld [smem:$0x3FB3]  }
0x2f: {  	lr =	sadd.s32 s0, s3;
	s0 =	sld [smem:$0x3FAA]  }
0x30: {  	s3 =	sld [smem:$0x3FAD]  }
0x31: {  	[smem:$0x3FB6] =	sst s10  }
0x32: {  	s10 =	sld [smem:$0x3FB4];
	_ =	sdelay $0x3  }
0x33: {  	p0 =	seq.s32 s10, $0x1;
	s10 =	sld [smem:$0x3FB6];
	_ =	sdelay $0x3  }
0x34: {  	[smem:$0x3FB6] =	sst s10  }
0x35: {  	s10 =	sld [smem:$0x3FB5];
	_ =	sdelay $0x3  }
0x36: {  	p1 =	seq.s32 s10, $0x1;
	s10 =	sld [smem:$0x3FB6];
	_ =	sdelay $0x3  }
0x37: {  	[smem:$0x3FB6] =	sst s10  }
0x38: {  	s10 =	sld [smem:$0x3FB7]  }
0x39: {  	_ = 	snop;
	(pc) =	sbr.ind lr, $3  }
0x3a: {  	_ = 	snop  }
0x3b: {  	_ = 	snop  }
0x3c: {  	p2 =	seq.s32 s10, $0x1;
	s10 =	sld [smem:$0x3FB6]  }
0x3d: {  	_ =	shalt  }
0x3e: {  	_ =	shalt  }
0x3f: {  	_ =	shalt  }
0x40: {  	_ =	shalt  }
0x41: {  	_ =	shalt  }
0x42: {  	_ =	shalt  }
0x43: {  	_ =	shalt  }
0x44: {  	_ =	shalt  }
0x45: {  	_ =	shalt  }
0x46: {  	_ =	shalt  }
0x47: {  	_ =	shalt  }
0x48: {  	_ =	shalt  }
0x49: {  	_ =	shalt  }
0x4a: {  	_ =	shalt  }
0x4b: {  	_ =	shalt  }
0x4c: {  	_ =	shalt  }
0x4d: {  	_ =	shalt  }
0x4e: {  	_ =	shalt  }
0x4f: {  	_ =	shalt  }
0x50: {  	_ =	shalt  }
0x51: {  	_ =	shalt  }
0x52: {  	_ =	shalt  }
0x53: {  	_ =	shalt  }
0x54: {  	_ =	shalt  }
0x55: {  	_ =	shalt  }
0x56: {  	_ =	shalt  }
0x57: {  	_ =	shalt  }
0x58: {  	_ =	shalt  }
0x59: {  	_ =	shalt  }
0x5a: {  	_ =	shalt  }
0x5b: {  	_ =	shalt  }
0x5c: {  	_ =	shalt  }
0x5d: {  	_ =	shalt  }
0x5e: {  	_ =	shalt  }
0x5f: {  	_ =	shalt  }
0x60: {  	_ =	shalt  }
0x61: {  	_ =	shalt  }
0x62: {  	_ =	shalt  }
0x63: {  	_ =	shalt  }
0x64: {  	_ =	shalt  }
0x65: {  	_ =	shalt  }
0x66: {  	_ =	shalt  }
0x67: {  	_ =	shalt  }
0x68: {  	_ =	shalt  }
0x69: {  	_ =	shalt  }
0x6a: {  	_ =	shalt  }
0x6b: {  	_ =	shalt  }
0x6c: {  	_ =	shalt  }
0x6d: {  	_ =	shalt  }
0x6e: {  	_ =	shalt  }
0x6f: {  	_ =	shalt  }
0x70: {  	_ =	shalt  }
0x71: {  	_ =	shalt  }
0x72: {  	_ =	shalt  }
0x73: {  	_ =	shalt  }
0x74: {  	_ =	shalt  }
0x75: {  	_ =	shalt  }
0x76: {  	_ =	shalt  }
0x77: {  	_ =	shalt  }
0x78: {  	_ =	shalt  }
0x79: {  	_ =	shalt  }
0x7a: {  	_ =	shalt  }
0x7b: {  	_ =	shalt  }
0x7c: {  	_ =	shalt  }
0x7d: {  	_ =	shalt  }
0x7e: {  	_ =	shalt  }
0x7f: {  	_ =	shalt  }
0x80: {  	_ =	shalt  }
0x81: {  	_ =	shalt  }
0x82: {  	_ =	shalt  }
0x83: {  	_ =	shalt  }
0x84: {  	_ =	shalt  }
0x85: {  	_ =	shalt  }
0x86: {  	_ =	shalt  }
0x87: {  	_ =	shalt  }
.Lfunc_end0:
.L_simem_size_0:
called_computation_lowered:
.L_overlay_start_0:
0x88: {  	s2 =	sld [smem:$0x3FD9]  }
0x89: {  	s3 =	sld [smem:$0x3FFE];
	_ =	sdelay $0x1  }
0x8a: {  	s1 =	srdreg.scid  }
0x8b: {  	s0 =	sand.u32 $0x1, s1  }
0x8c: {  	s17 =	sshll.u32 s0, $0xA;
	s2 =	sadd.s32 s3, s2  }
0x8d: {  	s2 =	sadd.s32 s2, s17  }
0x8e: {  	[smem:$0x3FC2] =	sst s2  }
0x8f: {  	_ = 	snop  }
0x90: {  	s2 =	sld [smem:$0x3FD0];
	(tm) =	ssettm $0x1  }
0x91: {  	s18 =	sld [smem:$0x3FFB];
	_ =	sdelay $0x3  }
0x92: {  	_ =	strace s18  }
0x93: {  	s3 =	sld [smem:$0x3FFC];
	_ =	sdelay $0x3  }
0x94: {  	_ =	strace s3  }
0x95: {  	s3 =	sld [smem:$0x3FFD];
	_ =	sdelay $0x3  }
0x96: {  	_ =	strace s3  }
0x97: {  	_ =	strace $0x8FFFFFFF  }
0x98: {  	s19 =	sld [smem:$0x3FDB];
	_ =	sdelay $0x1  }
0x99: {  	s4 =	simm.s32 $_scs_section_size  }
0x9a: {  	s5 =	simm.s32 $_size__tile_overlayer_lowered;
	s6 =	simm.s32 $_tile_overlayer_lowered  }
0x9b: {  	s22 =	simm.s32 $0x1BFF;
	s21 =	sshll.u32 s6, $0x1;
	s3 =	sadd.s32 s4, s19  }
0x9c: {  	s7 =	simm.s32 $0x0;
	s20 =	sshll.u32 s5, $0x1;
	s5 =	sadd.s32 s21, s3  }
0x9d: {  	[timem:s7], [sflag:s22] =	dma.local [hbm:s5], s20  }
0x9e: {  	_ =	swait.ge [sflag:s22], s20  }
0x9f: {  	s4 =	ssub.s32 $0x0, s20;
	[sflag:s22] =	ssyncset.done $0x0  }
0xa0: {  	[sflag:s22] =	ssyncadd.s32 s4;
	_ =	sdelay $0x1  }
0xa1: {  	s23 =	simm.s32 $0x1B8B  }
0xa2: {  	_ =	swait.ge [sflag:s23], $0x1  }
0xa3: {  	[sflag:s23] =	ssyncset.done $0x0  }
0xa4: {  	s25 =	simm.s32 $0x1B8E;
	s24 =	sld [smem:$0x3FFE];
	[sflag:s23] =	ssyncadd.s32 $0xFFFFFFFF  }
0xa5: {  	s26 =	simm.s32 $execute0_lowered;
	[smem:$0x3FD2] =	sst s25  }
0xa6: {  	s5 =	sshll.u32 s26, $0x1;
	_ =	strace $0x80000046;
	[dreg:$0x1] =	wrdreg $0xFFFFFFFF  }
0xa7: {  	s28 =	simm.s32 $_size_execute0_lowered;
	s3 =	sadd.s32 s3, s5;
	[dreg:$0x0] =	wrdreg $0x0  }
0xa8: {  	s5 =	sshll.u32 s28, $0x1;
	[dreg:$0x2] =	wrdreg s3  }
0xa9: {  	[dreg:$0x3] =	wrdreg s5  }
0xaa: {  	[dreg:$0x4] =	wrdreg $0xC0  }
0xab: {  	_ =	task [dreg:s7], $0x5FFFF  }
0xac: {  	[dreg:$0x1] =	wrdreg $0xFFFFFFFF  }
0xad: {  	[dreg:$0x0] =	wrdreg $0x60  }
0xae: {  	[dreg:$0x2] =	wrdreg s24  }
0xaf: {  	[dreg:$0x3] =	wrdreg s2  }
0xb0: {  	[dreg:$0x4] =	wrdreg $0x54000  }
0xb1: {  	[dreg:$0x5] =	wrdreg $0x9  }
0xb2: {  	_ =	task.clear_ibuf [dreg:s7], $0x6FFFF;
	_ =	strace $0x90000046  }
0xb3: {  	s29 =	simm.s32 $0x9;
	_ =	strace $0x80000048  }
0xb4: {  	_ =	swait.ge [sflag:s29], $0x1  }
0xb5: {  	[sflag:s29] =	ssyncadd.s32 $0xFFFFFFFF  }
0xb6: {  	_ =	strace $0x90000048  }
0xb7: {  	_ =	sfence  }
0xb8: {  	s30 =	sld [smem:$0x0];
	_ =	sdelay $0x2  }
0xb9: {  	s31 =	sshll.u32 s1, $0xD;
	s1 =	sshrl.u32 s1, $0x2  }
0xba: {  	s3 =	sand.u32 $0x4000, s31;
	s1 =	sadd.s32 s1, s30  }
0xbb: {  	s0 =	sor.u32 s3, s0;
	s1 =	sshll.u32 s1, $0x11  }
0xbc: {  	s0 =	sor.u32 s1, s0  }
0xbd: {  	s0 =	sadd.s32 $0x8F2B, s0  }
0xbe: {  	[sflag:s0] =	ssyncadd.remote.s32 $0x1  }
0xbf: {  	_ =	sfence.sel $0xFFFF  }
0xc0: {  	[dreg:$0x0] =	wrdreg $0xFFFFFFFF;
	(pc) =	sbr.abs _section_cstart, $3  }
0xc1: {  	[dreg:$0x1] =	wrdreg $0xFFFFFFFF  }
0xc2: {  	_ =	task.clear_ibuf [dreg:s7], $0x2FFFF;
	_ =	strace $0x9FFFFFFF  }
0xc3: {  	(tm) =	ssettm $0x7FFFFFFF  }
tec
execute0_lowered:
.L_overlay_start_1:
0x0: {  	(tag) =	ssettag $0x1  }
0x1: {  	s5 =	rddreg [dreg:$0x0]  }
0x2: {  	s6 =	rddreg [dreg:$0x1]  }
0x3: {  	s0 =	srdreg.scid;
	s2 =	rddreg [dreg:$0x2];
	s3 =	simm.s32 $0x0  }
0x4: {  	s12 =	simm.s32 $0x1400;
	s4 =	sand.u32 $0x1, s0;
	s0 =	stileid.u32  }
0x5: {  	s13 =	simm.s32 $0x80;
	s14 =	simm.s32 $0x0;
	s8 =	smul.u32 $0x14000, s0  }
0x6: {  	[smem:$0x7FF] =	sst s3;
	s1 =	sshll.u32 s4, $0x4;
	s9 =	smul.u32 $0x140000, s4  }
0x7: {  	s10 =	ssub.s32 $0x2, s4;
	s11 =	smul.u32 $0x50000, s0;
	s4 =	sadd.s32 $0xC600, s5  }
0x8: {  	s31 =	sshll.u32 s0, $0x6;
	s1 =	sor.u32 s0, s1;
	s29 =	sshrl.u32 s10, $0x1  }
0x9: {  	s7 =	smul.u32 $0x280, s1;
	s1 =	rddreg [dreg:$0x3];
	_ =	strace $0x80000047  }
0xa: {  	s9 =	sadd.s32 s8, s9;
	s10 =	ssub.s32 s10, s29;
	s30 =	sshrl.u32 s11, $0x2  }
0xb: {  	s8 =	sshrl.u32 s8, $0x3;
	s9 =	sshrl.u32 s9, $0x3;
	s11 =	sadd.s32 s30, s2  }
0xc: {  	s7 =	sadd.s32 s7, s5;
	s9 =	sadd.s32 s9, s5;
	s5 =	sadd.s32 s6, s8  }
0xd: {  	s6 =	sor.u32 $0x1C01, s31;
	s7 =	sadd.s32 $0x7600, s7;
	s8 =	sadd.s32 $0xCE00, s9  }
0xe: {  	s9 =	smax.u32 s10, $0x1;
	s10 =	sshrl.u32 s11, $0x3;
	s11 =	simm.s32 $0x1  }
.LBB2_1:
0xf: {  	[spmem:s10], [sflag:s6] =	dma.local [hbm:s5], $0x2800  }
0x10: {  	_ =	swait.ge [sflag:s11], $0x2800  }
0x11: {  	[sflag:s11] =	ssyncset.done $0x0  }
0x12: {  	[sflag:s11] =	ssyncadd.s32 $0xFFFFD800  }
0x13: {  	[tilespmem:s3], [sflag:$0x1] =	stream.linear.gather [hbm4b:s7+s3], $0x1400, $0x38;
	[tilespmem:$0x19400] =	vst v63  }
0x14: {  	_ =	swait.ge [sflag:s11], $0x1400  }
0x15: {  	[sflag:s11] =	ssyncset.done $0x0  }
0x16: {  	[sflag:s11] =	ssyncadd.s32 $0xFFFFEC00  }
0x17: {  	[tilespmem:s12], [sflag:$0x1] =	stream.linear.gather [hbm4b:s4+s3], $0x4000, $0x38;
	[tilespmem:$0x19400] =	vst v63  }
0x18: {  	_ =	swait.ge [sflag:s11], $0x4000  }
0x19: {  	[sflag:s11] =	ssyncset.done $0x0  }
0x1a: {  	[sflag:s11] =	ssyncadd.s32 $0xFFFFC000  }
0x1b: {  	s15 =	simm.s32 $0x0;
	[bflag:$0x0] =	sbarrier.arrive $0xFFFF  }
0x1c: {  	[spmem:s2] =	stream.indirect.scatter.add.f32 [tilespmem:s12], [sflag:$0x1], $0x80, s15, s13, $0xb8;
	[tilespmem:$0x19400] =	vst v63  }
0x1d: {  	_ =	swait.ge [sflag:s11], $0x4000  }
0x1e: {  	s15 =	simm.s32 $0x200;
	[sflag:s11] =	ssyncset.done $0x0  }
.LBB2_2:
0x1f: {  	s16 =	sshra.s32 s15, $0x2;
	[sflag:s11] =	ssyncadd.s32 $0xFFFFC000;
	p0 =	sne.s32 s15, $0x4E00  }
0x20: {  	[spmem:s2] =	stream.indirect.scatter.add.f32 [tilespmem:s12], [sflag:$0x1], $0x80, s16, s13, $0xb8;
	[tilespmem:$0x19400] =	vst v63  }
.Ltmp0:
0x21: {  	_ = 	snop;
	(pc) =	sbr.rel @p0 .LBB2_2-.Ltmp0, $4  }
0x22: {  	_ = 	snop  }
0x23: {  	s15 =	sadd.s32 $0x200, s15  }
0x24: {  	_ =	swait.ge [sflag:s11], $0x4000  }
0x25: {  	[sflag:s11] =	ssyncset.done $0x0  }
0x26: {  	s14 =	sadd.s32 $0x1, s14  }
0x27: {  	[sflag:s11] =	ssyncadd.s32 $0xFFFFC000;
	p0 =	sne.s32 s14, s9  }
.Ltmp1:
0x28: {  	[bflag:$0x0] =	sbarrier.arrive $0xFFFF;
	(pc) =	sbr.rel @p0 .LBB2_1-.Ltmp1, $4  }
0x29: {  	[hbm:s8], [sflag:s6] =	dma.local [spmem:s10], $0x2800  }
0x2a: {  	_ =	swait.ge [sflag:s11], $0x2800  }
0x2b: {  	[sflag:s11] =	ssyncset.done $0x0  }
0x2c: {  	[sflag:s11] =	ssyncadd.s32 $0xFFFFD800  }
0x2d: {  	_ =	sfence.sel $0x180000  }
0x2e: {  	[bflag:$0x0] =	sbarrier.arrive $0xFFFF  }
0x2f: {  	p0 =	sne.s32 s0, $0x0;
	_ =	strace $0x90000047  }
0x30: {  	s0 =	sadd.s32 @!p0 $0x100000, s1;
	[bflag:$0x2] =	sbarrier.arrive $0xFFFF  }
0x31: {  	[sflag:s0] =	ssyncadd.tile.s32 @!p0 $0x1;
	_ =	shalt  }
.Lfunc_end2:
_tile_overlayer_lowered:
.L_overlay_start_2:
0x32: {  	(tag) =	ssettag $0x2  }
0x33: {  	s0 =	rddreg [dreg:$0x0];
	s2 =	stileid.u32  }
0x34: {  	s1 =	rddreg [dreg:$0x1];
	p0 =	sne.s32 s2, $0x0  }
0x35: {  	s3 =	rddreg [dreg:$0x2];
	[bflag:$0x3] =	sbarrier.arrive $0xFFFF;
	s2 =	simm.s32 @!p0 $0x1C01  }
0x36: {  	[timem:s3], [sflag:s2] =	dma.local @!p0 [hbm:s0], s1  }
0x37: {  	s0 =	simm.s32 @!p0 $0x1  }
0x38: {  	_ =	swait.ge @!p0 [sflag:s0], s1  }
0x39: {  	s1 =	ssub.s32 @!p0 $0x0, s1;
	[sflag:s0] =	ssyncset.done @!p0 $0x0  }
0x3a: {  	[sflag:s0] =	ssyncadd.s32 @!p0 s1  }
0x3b: {  	[bflag:$0x3] =	sbarrier.arrive $0xFFFF  }
0x3c: {  	_ =	shalt  }

</sc_bundles>
